<compile_context>
chip_gen: v7x
topology: tpu7x:2x2x1
jax: 0.10.2.dev20260603
libtpu: 0.0.44.dev20260713+nightly
codegen_flags: <defaults>
</compile_context>

<pallas_src>
import functools

import jax
import jax.numpy as jnp
from jax import lax
from jax.experimental import pallas as pl
from jax.experimental.pallas import tpu as pltpu
from jax.experimental.pallas import tpu_sc as plsc

_V = 1000000
_D = 32
_BATCH = 16384
_HIST = 20
_NC = 2
_NS = 16
_NW = _NC * _NS
_BPW = _BATCH // _NW
_JPW = _BPW // 128

_TBLK = 4096
_TGRID = 62
_S = _TBLK * _TGRID
_M4ROWS = _S * 4


def _tc_body(x0, x1, x2, x3, o):
    o[...] = jnp.concatenate([x[...].T for x in (x0, x1, x2, x3)], axis=1)


def _make_tc_format():
    _LAST = (_V + _TBLK - 1) // _TBLK - 1

    def in_spec(j):
        return pl.BlockSpec(
            (_D, _TBLK),
            lambda c, j=j: (0, jnp.minimum(j * _TGRID + c, _LAST)))

    return pl.pallas_call(
        _tc_body,
        grid=(_TGRID,),
        compiler_params=pltpu.CompilerParams(
            fuse_transposed_lhs_in_matmul=True),
        in_specs=[in_spec(j) for j in range(4)],
        out_specs=pl.BlockSpec((_TBLK, 128), lambda c: (c, 0)),
        out_shape=jax.ShapeDtypeStruct((_S, 128), jnp.float32),
    )


_tc_format = _make_tc_format()


def _make_gather():
    mesh = plsc.VectorSubcoreMesh(core_axis_name="c", subcore_axis_name="s")

    @functools.partial(
        pl.kernel,
        mesh=mesh,
        compiler_params=pltpu.CompilerParams(use_tc_tiling_on_sc=False,
                                             needs_layout_passes=False,
                                             disable_bounds_checks=True),
        out_type=jax.ShapeDtypeStruct((_HIST, 4, 128, 8, 128), jnp.float32),
        scratch_types=[
            pltpu.VMEM((_HIST * _BPW,), jnp.int32),
            pltpu.VMEM((_HIST * _BPW,), jnp.int32),
            pltpu.VMEM((_BPW, _D), jnp.float32),
            pltpu.VMEM((_BPW, _D), jnp.float32),
            pltpu.VMEM((4, 4, 8, 128), jnp.float32),
            pltpu.VMEM((4, 4, 8, 128), jnp.float32),
            pltpu.SemaphoreType.DMA,
            pltpu.SemaphoreType.DMA,
            pltpu.SemaphoreType.DMA,
            pltpu.SemaphoreType.DMA,
        ],
    )
    def gather_kernel(m4_hbm, idx_hbm, out_hbm, idx_all, q_all,
                      rows0, rows1, stage0, stage1, gsem0, gsem1,
                      wsem0, wsem1):
        rows = (rows0, rows1)
        stage = (stage0, stage1)
        gsem = (gsem0, gsem1)
        wsem = (wsem0, wsem1)

        wid = lax.axis_index("s") * _NC + lax.axis_index("c")

        pltpu.sync_copy(idx_hbm.at[wid], idx_all)

        def prep(i, carry):
            r = idx_all[pl.ds(16 * i, 16)]
            jv = ((r >= _S).astype(jnp.int32)
                  + (r >= 2 * _S).astype(jnp.int32)
                  + (r >= 3 * _S).astype(jnp.int32))
            q_all[pl.ds(16 * i, 16)] = 4 * r - jv * (4 * _S - 1)
            return carry

        lax.fori_loop(0, _HIST * _BPW // 16, prep, 0)

        def start_gather(h, b):
            return pltpu.async_copy(
                m4_hbm.at[q_all.at[pl.ds(_BPW * h, _BPW)]], rows[b], gsem[b])

        def wait_gather(h, b):
            pltpu.make_async_copy(
                m4_hbm.at[q_all.at[pl.ds(_BPW * h, _BPW)]], rows[b],
                gsem[b]).wait()

        def start_wb(h, b):
            for jj in range(_JPW):
                pltpu.async_copy(stage[b].at[jj],
                                 out_hbm.at[h, :, wid * _JPW + jj], wsem[b])

        def drain_wb(h, b):
            for jj in range(_JPW):
                pltpu.make_async_copy(
                    stage[b].at[jj], out_hbm.at[h, :, wid * _JPW + jj],
                    wsem[b]).wait()

        start_gather(0, 0)

        def pair(g, carry):
            for b in range(2):
                h = 2 * g + b

                @pl.when(h >= 2)
                def _():
                    drain_wb(h - 2, b)

                @pl.when(h + 1 <= _HIST - 1)
                def _():
                    start_gather(h + 1, 1 - b)

                wait_gather(h, b)

                rows_b = rows[b]
                stage_b = stage[b]

                @plsc.parallel_loop(0, (_BPW // 16) * _D, 1, unroll=16)
                def _sel(i):
                    grp = lax.shift_right_logical(i, 5)
                    e = lax.bitwise_and(i, 31)
                    row = lax.iota(jnp.int32, 16) + 16 * grp
                    col = jnp.zeros((16,), jnp.int32) + e
                    val = plsc.load_gather(rows_b, [row, col])
                    stage_b[lax.shift_right_logical(grp, 3),
                            lax.shift_right_logical(e, 3),
                            lax.bitwise_and(e, 7),
                            pl.ds(16 * lax.bitwise_and(grp, 7), 16)] = val

                start_wb(h, b)
            return carry

        lax.fori_loop(0, _HIST // 2, pair, 0)

        drain_wb(_HIST - 2, 0)
        drain_wb(_HIST - 1, 1)

    return gather_kernel


_gather = _make_gather()


def kernel(inputs, embedding):
    e_t = embedding.T
    m = _tc_format(e_t, e_t, e_t, e_t)
    m4 = m.reshape(_M4ROWS, _D)
    idx2 = (inputs.astype(jnp.int32).T.reshape(_HIST, _NW, _BPW)
            .transpose(1, 0, 2).reshape(_NW, _HIST * _BPW))
    out5 = _gather(m4, idx2)
    return out5.transpose(2, 4, 0, 1, 3).reshape(_BATCH, _HIST, _D)

# --- scband reference (transcript-rebuilt; emitter-appended) ---
"""Pipeline reference for scband-embed-28363964023298 (READ-ONLY COPY).

The authoritative reference and input builder live on the scoring server;
editing this copy changes nothing except your own understanding.
"""

import jax, jax.numpy as jnp
import numpy as np

NUM_EMBEDDINGS = 1000000
FEATURES = 32
BATCH = 16384
HIST = 20


def setup_inputs(seed: int = 0) -> dict:
    key = jax.random.key(seed)
    k_idx, k_emb = jax.random.split(key)
    inputs = jax.random.randint(k_idx, (BATCH, HIST), 0, NUM_EMBEDDINGS, dtype=jnp.int64)
    # learned parameter: embedding table, init normal(stddev=1.0)
    embedding = jax.random.normal(k_emb, (NUM_EMBEDDINGS, FEATURES), dtype=jnp.float32) * 1.0
    return {"inputs": inputs, "embedding": embedding}


def reference(inputs, embedding):
    # mode == 'input': integer-index gather into the embedding table
    return jnp.take(embedding, inputs, axis=0)

if __name__ == "__main__":
    import jax
    _d = setup_inputs()
    print(jax.jit(kernel)(*tuple(_d.values())))

</pallas_src>

<mosaic_0001>
#map = affine_map<(d0, d1) -> (0, 0)>
#map1 = affine_map<(d0, d1) -> (0, 0, 0, 0, 0)>
module attributes {stable_mosaic.version = 14 : i64} {
  func.func @gather_kernel(%arg0: i32, %arg1: i32, %arg2: memref<1015808x32xf32, #tpu.memory_space<hbm>>, %arg3: memref<32x10240xi32, #tpu.memory_space<hbm>>, %arg4: memref<20x4x128x8x128xf32, #tpu.memory_space<hbm>>, %arg5: memref<10240xi32, #tpu.memory_space<vmem>>, %arg6: memref<10240xi32, #tpu.memory_space<vmem>>, %arg7: memref<512x32xf32, #tpu.memory_space<vmem>>, %arg8: memref<512x32xf32, #tpu.memory_space<vmem>>, %arg9: memref<4x4x8x128xf32, #tpu.memory_space<vmem>>, %arg10: memref<4x4x8x128xf32, #tpu.memory_space<vmem>>, %arg11: memref<!tpu.dma_semaphore, #tpu.memory_space<semaphore_mem>>, %arg12: memref<!tpu.dma_semaphore, #tpu.memory_space<semaphore_mem>>, %arg13: memref<!tpu.dma_semaphore, #tpu.memory_space<semaphore_mem>>, %arg14: memref<!tpu.dma_semaphore, #tpu.memory_space<semaphore_mem>>) attributes {dimension_semantics = [#tpu.dimension_semantics<core_parallel>, #tpu.dimension_semantics<subcore_parallel>], iteration_bounds = array<i64: 2, 16>, scalar_prefetch = 0 : i64, scratch_operands = 10 : i64, tpu.core_type = #tpu.core_type<sc_vector_subcore>, window_params = [{transform_indices = #map}, {transform_indices = #map}, {transform_indices = #map1}]} {
    %mul3A = arith.constant 2 : i32
    %mul3A_0 = arith.muli %arg1, %mul3A : i32
    %add3A = arith.addi %mul3A_0, %arg0 : i32
    "tpu.region"() ({
      %run_scoped3A = tpu.sem_alloc : memref<!tpu.dma_semaphore, #tpu.memory_space<semaphore_mem>>
      %dma_start3A_223 = arith.constant 0 : i32
      %dma_start3A_224 = tpu.memref_slice %arg3[%add3A, %dma_start3A_223] : memref<32x10240xi32, #tpu.memory_space<hbm>> -> memref<1x10240xi32, #tpu.memory_space<hbm>>
      %dma_start3A_225 = tpu.memref_squeeze %dma_start3A_224 : memref<1x10240xi32, #tpu.memory_space<hbm>> -> memref<10240xi32, #tpu.memory_space<hbm>>
      %dma_start3A_226 = arith.constant 0 : i32
      %dma_start3A_227 = tpu.memref_slice %arg3[%add3A, %dma_start3A_226] : memref<32x10240xi32, #tpu.memory_space<hbm>> -> memref<1x10240xi32, #tpu.memory_space<hbm>>
      %dma_start3A_228 = tpu.memref_squeeze %dma_start3A_227 : memref<1x10240xi32, #tpu.memory_space<hbm>> -> memref<10240xi32, #tpu.memory_space<hbm>>
      tpu.enqueue_dma source(%dma_start3A_228 : memref<10240xi32, #tpu.memory_space<hbm>>) target(%arg5 : memref<10240xi32, #tpu.memory_space<vmem>>) target_semaphore(%run_scoped3A : memref<!tpu.dma_semaphore, #tpu.memory_space<semaphore_mem>>)
      %dma_wait3A_229 = arith.constant 0 : i32
      %dma_wait3A_230 = tpu.memref_slice %arg3[%add3A, %dma_wait3A_229] : memref<32x10240xi32, #tpu.memory_space<hbm>> -> memref<1x10240xi32, #tpu.memory_space<hbm>>
      %dma_wait3A_231 = tpu.memref_squeeze %dma_wait3A_230 : memref<1x10240xi32, #tpu.memory_space<hbm>> -> memref<10240xi32, #tpu.memory_space<hbm>>
      %dma_wait3A_232 = arith.constant 0 : i32
      %dma_wait3A_233 = tpu.memref_slice %arg3[%add3A, %dma_wait3A_232] : memref<32x10240xi32, #tpu.memory_space<hbm>> -> memref<1x10240xi32, #tpu.memory_space<hbm>>
      %dma_wait3A_234 = tpu.memref_squeeze %dma_wait3A_233 : memref<1x10240xi32, #tpu.memory_space<hbm>> -> memref<10240xi32, #tpu.memory_space<hbm>>
      tpu.wait_dma2 semaphore(%run_scoped3A : memref<!tpu.dma_semaphore, #tpu.memory_space<semaphore_mem>>) src(%dma_wait3A_234 : memref<10240xi32, #tpu.memory_space<hbm>>) dst(%arg5 : memref<10240xi32, #tpu.memory_space<vmem>>)
      tpu.yield
    }) : () -> ()
    %scan3A = arith.constant 0 : i32
    %scan3A_1 = arith.constant 0 : i32
    %scan3A_2 = arith.constant 640 : i32
    %scan3A_3 = arith.addi %scan3A_1, %scan3A_2 : i32
    %scan3A_4 = arith.constant 1 : i32
    scf.for %scan3A_223 = %scan3A_1 to %scan3A_3 step %scan3A_4  : i32 {
      %mul3A_224 = arith.constant 16 : i32
      %mul3A_225 = arith.muli %mul3A_224, %scan3A_223 : i32
      %get3A = arith.index_cast %mul3A_225 : i32 to index
      %get3A_226 = tpu.vector_load %arg5[%get3A] {strides = array<i32>} : memref<10240xi32, #tpu.memory_space<vmem>>, vector<16xi32>,
      %ge3A = arith.constant 253952 : i32
      %ge3A_227 = vector.broadcast %ge3A : i32 to vector<16xi32>
      %ge3A_228 = arith.cmpi sge, %get3A_226, %ge3A_227 : vector<16xi32>
      %convert_element_type3A = arith.extui %ge3A_228 : vector<16xi1> to vector<16xi32>
      %ge3A_229 = arith.constant 507904 : i32
      %ge3A_230 = vector.broadcast %ge3A_229 : i32 to vector<16xi32>
      %ge3A_231 = arith.cmpi sge, %get3A_226, %ge3A_230 : vector<16xi32>
      %convert_element_type3A_232 = arith.extui %ge3A_231 : vector<16xi1> to vector<16xi32>
      %add3A_233 = arith.addi %convert_element_type3A, %convert_element_type3A_232 : vector<16xi32>
      %ge3A_234 = arith.constant 761856 : i32
      %ge3A_235 = vector.broadcast %ge3A_234 : i32 to vector<16xi32>
      %ge3A_236 = arith.cmpi sge, %get3A_226, %ge3A_235 : vector<16xi32>
      %convert_element_type3A_237 = arith.extui %ge3A_236 : vector<16xi1> to vector<16xi32>
      %add3A_238 = arith.addi %add3A_233, %convert_element_type3A_237 : vector<16xi32>
      %mul3A_239 = arith.constant 4 : i32
      %mul3A_240 = vector.broadcast %mul3A_239 : i32 to vector<16xi32>
      %mul3A_241 = arith.muli %mul3A_240, %get3A_226 : vector<16xi32>
      %mul3A_242 = arith.constant 1015807 : i32
      %mul3A_243 = vector.broadcast %mul3A_242 : i32 to vector<16xi32>
      %mul3A_244 = arith.muli %add3A_238, %mul3A_243 : vector<16xi32>
      %sub3A = arith.subi %mul3A_241, %mul3A_244 : vector<16xi32>
      %mul3A_245 = arith.constant 16 : i32
      %mul3A_246 = arith.muli %mul3A_245, %scan3A_223 : i32
      %swap3A = arith.index_cast %mul3A_246 : i32 to index
      %swap3A_247 = tpu.vector_load %arg6[%swap3A] {strides = array<i32>} : memref<10240xi32, #tpu.memory_space<vmem>>, vector<16xi32>,
      tpu.vector_store %arg6[%swap3A], %sub3A {strides = array<i32>} : memref<10240xi32, #tpu.memory_space<vmem>>, vector<16xi32>,
    }
    %scan3A_5 = arith.constant 640 : i32
    %dma_start3A = arith.constant 0 : i32
    %dma_start3A_6 = tpu.memref_slice %arg6[%dma_start3A] : memref<10240xi32, #tpu.memory_space<vmem>> -> memref<512xi32, #tpu.memory_space<vmem>>
    %dma_start3A_7 = arith.constant 0 : i32
    %dma_start3A_8 = arith.constant 0 : i32
    %dma_start3A_9 = tpu.memref_slice %arg2[%dma_start3A_7, %dma_start3A_8] : memref<1015808x32xf32, #tpu.memory_space<hbm>> -> memref<1015808x32xf32, #tpu.memory_space<hbm>>
    tpu.enqueue_indirect_dma source(%dma_start3A_9 : memref<1015808x32xf32, #tpu.memory_space<hbm>>) target(%arg7 : memref<512x32xf32, #tpu.memory_space<vmem>>) offsets(%dma_start3A_6 : memref<512xi32, #tpu.memory_space<vmem>>) semaphore(%arg11 : memref<!tpu.dma_semaphore, #tpu.memory_space<semaphore_mem>>)
    %scan3A_10 = arith.constant 0 : i32
    %scan3A_11 = arith.constant 0 : i32
    %scan3A_12 = arith.constant 10 : i32
    %scan3A_13 = arith.addi %scan3A_11, %scan3A_12 : i32
    %scan3A_14 = arith.constant 1 : i32
    scf.for %scan3A_223 = %scan3A_11 to %scan3A_13 step %scan3A_14  : i32 {
      %mul3A_224 = arith.constant 2 : i32
      %mul3A_225 = arith.muli %mul3A_224, %scan3A_223 : i32
      %add3A_226 = arith.constant 0 : i32
      %add3A_227 = arith.addi %mul3A_225, %add3A_226 : i32
      %ge3A = arith.constant 2 : i32
      %ge3A_228 = arith.cmpi sge, %add3A_227, %ge3A : i32
      %convert_element_type3A = arith.extui %ge3A_228 : i1 to i32
      %cond3A = arith.constant 0 : i32
      %cond3A_229 = arith.cmpi ne, %convert_element_type3A, %cond3A : i32
      scf.if %cond3A_229 {
        %sub3A = arith.constant 2 : i32
        %sub3A_469 = arith.subi %add3A_227, %sub3A : i32
        %mul3A_470 = arith.constant 4 : i32
        %mul3A_471 = arith.muli %add3A, %mul3A_470 : i32
        %add3A_472 = arith.constant 0 : i32
        %add3A_473 = arith.addi %mul3A_471, %add3A_472 : i32
        %dma_wait3A_474 = arith.constant 0 : i32
        %dma_wait3A_475 = arith.constant 0 : i32
        %dma_wait3A_476 = arith.constant 0 : i32
        %dma_wait3A_477 = arith.constant 0 : i32
        %dma_wait3A_478 = tpu.memref_slice %arg9[%dma_wait3A_474, %dma_wait3A_475, %dma_wait3A_476, %dma_wait3A_477] : memref<4x4x8x128xf32, #tpu.memory_space<vmem>> -> memref<1x4x8x128xf32, #tpu.memory_space<vmem>>
        %dma_wait3A_479 = tpu.memref_squeeze %dma_wait3A_478 : memref<1x4x8x128xf32, #tpu.memory_space<vmem>> -> memref<4x8x128xf32, #tpu.memory_space<vmem>>
        %dma_wait3A_480 = arith.constant 0 : i32
        %dma_wait3A_481 = arith.constant 0 : i32
        %dma_wait3A_482 = arith.constant 0 : i32
        %dma_wait3A_483 = tpu.memref_slice %arg4[%sub3A_469, %dma_wait3A_480, %add3A_473, %dma_wait3A_481, %dma_wait3A_482] : memref<20x4x128x8x128xf32, #tpu.memory_space<hbm>> -> memref<1x4x1x8x128xf32, #tpu.memory_space<hbm>>
        %dma_wait3A_484 = tpu.memref_squeeze %dma_wait3A_483 : memref<1x4x1x8x128xf32, #tpu.memory_space<hbm>> -> memref<4x8x128xf32, #tpu.memory_space<hbm>>
        %dma_wait3A_485 = arith.constant 0 : i32
        %dma_wait3A_486 = arith.constant 0 : i32
        %dma_wait3A_487 = arith.constant 0 : i32
        %dma_wait3A_488 = tpu.memref_slice %arg4[%sub3A_469, %dma_wait3A_485, %add3A_473, %dma_wait3A_486, %dma_wait3A_487] : memref<20x4x128x8x128xf32, #tpu.memory_space<hbm>> -> memref<1x4x1x8x128xf32, #tpu.memory_space<hbm>>
        %dma_wait3A_489 = tpu.memref_squeeze %dma_wait3A_488 : memref<1x4x1x8x128xf32, #tpu.memory_space<hbm>> -> memref<4x8x128xf32, #tpu.memory_space<hbm>>
        %dma_wait3A_490 = arith.constant 0 : i32
        %dma_wait3A_491 = arith.constant 0 : i32
        %dma_wait3A_492 = arith.constant 0 : i32
        %dma_wait3A_493 = tpu.memref_slice %arg9[%dma_wait3A_474, %dma_wait3A_490, %dma_wait3A_491, %dma_wait3A_492] : memref<4x4x8x128xf32, #tpu.memory_space<vmem>> -> memref<1x4x8x128xf32, #tpu.memory_space<vmem>>
        %dma_wait3A_494 = tpu.memref_squeeze %dma_wait3A_493 : memref<1x4x8x128xf32, #tpu.memory_space<vmem>> -> memref<4x8x128xf32, #tpu.memory_space<vmem>>
        tpu.wait_dma2 semaphore(%arg13 : memref<!tpu.dma_semaphore, #tpu.memory_space<semaphore_mem>>) src(%dma_wait3A_494 : memref<4x8x128xf32, #tpu.memory_space<vmem>>) dst(%dma_wait3A_489 : memref<4x8x128xf32, #tpu.memory_space<hbm>>)
        %mul3A_495 = arith.constant 4 : i32
        %mul3A_496 = arith.muli %add3A, %mul3A_495 : i32
        %add3A_497 = arith.constant 1 : i32
        %add3A_498 = arith.addi %mul3A_496, %add3A_497 : i32
        %dma_wait3A_499 = arith.constant 1 : i32
        %dma_wait3A_500 = arith.constant 0 : i32
        %dma_wait3A_501 = arith.constant 0 : i32
        %dma_wait3A_502 = arith.constant 0 : i32
        %dma_wait3A_503 = tpu.memref_slice %arg9[%dma_wait3A_499, %dma_wait3A_500, %dma_wait3A_501, %dma_wait3A_502] : memref<4x4x8x128xf32, #tpu.memory_space<vmem>> -> memref<1x4x8x128xf32, #tpu.memory_space<vmem>>
        %dma_wait3A_504 = tpu.memref_squeeze %dma_wait3A_503 : memref<1x4x8x128xf32, #tpu.memory_space<vmem>> -> memref<4x8x128xf32, #tpu.memory_space<vmem>>
        %dma_wait3A_505 = arith.constant 0 : i32
        %dma_wait3A_506 = arith.constant 0 : i32
        %dma_wait3A_507 = arith.constant 0 : i32
        %dma_wait3A_508 = tpu.memref_slice %arg4[%sub3A_469, %dma_wait3A_505, %add3A_498, %dma_wait3A_506, %dma_wait3A_507] : memref<20x4x128x8x128xf32, #tpu.memory_space<hbm>> -> memref<1x4x1x8x128xf32, #tpu.memory_space<hbm>>
        %dma_wait3A_509 = tpu.memref_squeeze %dma_wait3A_508 : memref<1x4x1x8x128xf32, #tpu.memory_space<hbm>> -> memref<4x8x128xf32, #tpu.memory_space<hbm>>
        %dma_wait3A_510 = arith.constant 0 : i32
        %dma_wait3A_511 = arith.constant 0 : i32
        %dma_wait3A_512 = arith.constant 0 : i32
        %dma_wait3A_513 = tpu.memref_slice %arg4[%sub3A_469, %dma_wait3A_510, %add3A_498, %dma_wait3A_511, %dma_wait3A_512] : memref<20x4x128x8x128xf32, #tpu.memory_space<hbm>> -> memref<1x4x1x8x128xf32, #tpu.memory_space<hbm>>
        %dma_wait3A_514 = tpu.memref_squeeze %dma_wait3A_513 : memref<1x4x1x8x128xf32, #tpu.memory_space<hbm>> -> memref<4x8x128xf32, #tpu.memory_space<hbm>>
        %dma_wait3A_515 = arith.constant 0 : i32
        %dma_wait3A_516 = arith.constant 0 : i32
        %dma_wait3A_517 = arith.constant 0 : i32
        %dma_wait3A_518 = tpu.memref_slice %arg9[%dma_wait3A_499, %dma_wait3A_515, %dma_wait3A_516, %dma_wait3A_517] : memref<4x4x8x128xf32, #tpu.memory_space<vmem>> -> memref<1x4x8x128xf32, #tpu.memory_space<vmem>>
        %dma_wait3A_519 = tpu.memref_squeeze %dma_wait3A_518 : memref<1x4x8x128xf32, #tpu.memory_space<vmem>> -> memref<4x8x128xf32, #tpu.memory_space<vmem>>
        tpu.wait_dma2 semaphore(%arg13 : memref<!tpu.dma_semaphore, #tpu.memory_space<semaphore_mem>>) src(%dma_wait3A_519 : memref<4x8x128xf32, #tpu.memory_space<vmem>>) dst(%dma_wait3A_514 : memref<4x8x128xf32, #tpu.memory_space<hbm>>)
        %mul3A_520 = arith.constant 4 : i32
        %mul3A_521 = arith.muli %add3A, %mul3A_520 : i32
        %add3A_522 = arith.constant 2 : i32
        %add3A_523 = arith.addi %mul3A_521, %add3A_522 : i32
        %dma_wait3A_524 = arith.constant 2 : i32
        %dma_wait3A_525 = arith.constant 0 : i32
        %dma_wait3A_526 = arith.constant 0 : i32
        %dma_wait3A_527 = arith.constant 0 : i32
        %dma_wait3A_528 = tpu.memref_slice %arg9[%dma_wait3A_524, %dma_wait3A_525, %dma_wait3A_526, %dma_wait3A_527] : memref<4x4x8x128xf32, #tpu.memory_space<vmem>> -> memref<1x4x8x128xf32, #tpu.memory_space<vmem>>
        %dma_wait3A_529 = tpu.memref_squeeze %dma_wait3A_528 : memref<1x4x8x128xf32, #tpu.memory_space<vmem>> -> memref<4x8x128xf32, #tpu.memory_space<vmem>>
        %dma_wait3A_530 = arith.constant 0 : i32
        %dma_wait3A_531 = arith.constant 0 : i32
        %dma_wait3A_532 = arith.constant 0 : i32
        %dma_wait3A_533 = tpu.memref_slice %arg4[%sub3A_469, %dma_wait3A_530, %add3A_523, %dma_wait3A_531, %dma_wait3A_532] : memref<20x4x128x8x128xf32, #tpu.memory_space<hbm>> -> memref<1x4x1x8x128xf32, #tpu.memory_space<hbm>>
        %dma_wait3A_534 = tpu.memref_squeeze %dma_wait3A_533 : memref<1x4x1x8x128xf32, #tpu.memory_space<hbm>> -> memref<4x8x128xf32, #tpu.memory_space<hbm>>
        %dma_wait3A_535 = arith.constant 0 : i32
        %dma_wait3A_536 = arith.constant 0 : i32
        %dma_wait3A_537 = arith.constant 0 : i32
        %dma_wait3A_538 = tpu.memref_slice %arg4[%sub3A_469, %dma_wait3A_535, %add3A_523, %dma_wait3A_536, %dma_wait3A_537] : memref<20x4x128x8x128xf32, #tpu.memory_space<hbm>> -> memref<1x4x1x8x128xf32, #tpu.memory_space<hbm>>
        %dma_wait3A_539 = tpu.memref_squeeze %dma_wait3A_538 : memref<1x4x1x8x128xf32, #tpu.memory_space<hbm>> -> memref<4x8x128xf32, #tpu.memory_space<hbm>>
        %dma_wait3A_540 = arith.constant 0 : i32
        %dma_wait3A_541 = arith.constant 0 : i32
        %dma_wait3A_542 = arith.constant 0 : i32
        %dma_wait3A_543 = tpu.memref_slice %arg9[%dma_wait3A_524, %dma_wait3A_540, %dma_wait3A_541, %dma_wait3A_542] : memref<4x4x8x128xf32, #tpu.memory_space<vmem>> -> memref<1x4x8x128xf32, #tpu.memory_space<vmem>>
        %dma_wait3A_544 = tpu.memref_squeeze %dma_wait3A_543 : memref<1x4x8x128xf32, #tpu.memory_space<vmem>> -> memref<4x8x128xf32, #tpu.memory_space<vmem>>
        tpu.wait_dma2 semaphore(%arg13 : memref<!tpu.dma_semaphore, #tpu.memory_space<semaphore_mem>>) src(%dma_wait3A_544 : memref<4x8x128xf32, #tpu.memory_space<vmem>>) dst(%dma_wait3A_539 : memref<4x8x128xf32, #tpu.memory_space<hbm>>)
        %mul3A_545 = arith.constant 4 : i32
        %mul3A_546 = arith.muli %add3A, %mul3A_545 : i32
        %add3A_547 = arith.constant 3 : i32
        %add3A_548 = arith.addi %mul3A_546, %add3A_547 : i32
        %dma_wait3A_549 = arith.constant 3 : i32
        %dma_wait3A_550 = arith.constant 0 : i32
        %dma_wait3A_551 = arith.constant 0 : i32
        %dma_wait3A_552 = arith.constant 0 : i32
        %dma_wait3A_553 = tpu.memref_slice %arg9[%dma_wait3A_549, %dma_wait3A_550, %dma_wait3A_551, %dma_wait3A_552] : memref<4x4x8x128xf32, #tpu.memory_space<vmem>> -> memref<1x4x8x128xf32, #tpu.memory_space<vmem>>
        %dma_wait3A_554 = tpu.memref_squeeze %dma_wait3A_553 : memref<1x4x8x128xf32, #tpu.memory_space<vmem>> -> memref<4x8x128xf32, #tpu.memory_space<vmem>>
        %dma_wait3A_555 = arith.constant 0 : i32
        %dma_wait3A_556 = arith.constant 0 : i32
        %dma_wait3A_557 = arith.constant 0 : i32
        %dma_wait3A_558 = tpu.memref_slice %arg4[%sub3A_469, %dma_wait3A_555, %add3A_548, %dma_wait3A_556, %dma_wait3A_557] : memref<20x4x128x8x128xf32, #tpu.memory_space<hbm>> -> memref<1x4x1x8x128xf32, #tpu.memory_space<hbm>>
        %dma_wait3A_559 = tpu.memref_squeeze %dma_wait3A_558 : memref<1x4x1x8x128xf32, #tpu.memory_space<hbm>> -> memref<4x8x128xf32, #tpu.memory_space<hbm>>
        %dma_wait3A_560 = arith.constant 0 : i32
        %dma_wait3A_561 = arith.constant 0 : i32
        %dma_wait3A_562 = arith.constant 0 : i32
        %dma_wait3A_563 = tpu.memref_slice %arg4[%sub3A_469, %dma_wait3A_560, %add3A_548, %dma_wait3A_561, %dma_wait3A_562] : memref<20x4x128x8x128xf32, #tpu.memory_space<hbm>> -> memref<1x4x1x8x128xf32, #tpu.memory_space<hbm>>
        %dma_wait3A_564 = tpu.memref_squeeze %dma_wait3A_563 : memref<1x4x1x8x128xf32, #tpu.memory_space<hbm>> -> memref<4x8x128xf32, #tpu.memory_space<hbm>>
        %dma_wait3A_565 = arith.constant 0 : i32
        %dma_wait3A_566 = arith.constant 0 : i32
        %dma_wait3A_567 = arith.constant 0 : i32
        %dma_wait3A_568 = tpu.memref_slice %arg9[%dma_wait3A_549, %dma_wait3A_565, %dma_wait3A_566, %dma_wait3A_567] : memref<4x4x8x128xf32, #tpu.memory_space<vmem>> -> memref<1x4x8x128xf32, #tpu.memory_space<vmem>>
        %dma_wait3A_569 = tpu.memref_squeeze %dma_wait3A_568 : memref<1x4x8x128xf32, #tpu.memory_space<vmem>> -> memref<4x8x128xf32, #tpu.memory_space<vmem>>
        tpu.wait_dma2 semaphore(%arg13 : memref<!tpu.dma_semaphore, #tpu.memory_space<semaphore_mem>>) src(%dma_wait3A_569 : memref<4x8x128xf32, #tpu.memory_space<vmem>>) dst(%dma_wait3A_564 : memref<4x8x128xf32, #tpu.memory_space<hbm>>)
      } else {
      }
      %add3A_230 = arith.constant 1 : i32
      %add3A_231 = arith.addi %add3A_227, %add3A_230 : i32
      %le3A = arith.constant 19 : i32
      %le3A_232 = arith.cmpi sle, %add3A_231, %le3A : i32
      %convert_element_type3A_233 = arith.extui %le3A_232 : i1 to i32
      %cond3A_234 = arith.constant 0 : i32
      %cond3A_235 = arith.cmpi ne, %convert_element_type3A_233, %cond3A_234 : i32
      scf.if %cond3A_235 {
        %add3A_469 = arith.constant 1 : i32
        %add3A_470 = arith.addi %add3A_227, %add3A_469 : i32
        %mul3A_471 = arith.constant 512 : i32
        %mul3A_472 = arith.muli %mul3A_471, %add3A_470 : i32
        %dma_start3A_473 = tpu.memref_slice %arg6[%mul3A_472] : memref<10240xi32, #tpu.memory_space<vmem>> -> memref<512xi32, #tpu.memory_space<vmem>>
        %dma_start3A_474 = arith.constant 0 : i32
        %dma_start3A_475 = arith.constant 0 : i32
        %dma_start3A_476 = tpu.memref_slice %arg2[%dma_start3A_474, %dma_start3A_475] : memref<1015808x32xf32, #tpu.memory_space<hbm>> -> memref<1015808x32xf32, #tpu.memory_space<hbm>>
        tpu.enqueue_indirect_dma source(%dma_start3A_476 : memref<1015808x32xf32, #tpu.memory_space<hbm>>) target(%arg8 : memref<512x32xf32, #tpu.memory_space<vmem>>) offsets(%dma_start3A_473 : memref<512xi32, #tpu.memory_space<vmem>>) semaphore(%arg12 : memref<!tpu.dma_semaphore, #tpu.memory_space<semaphore_mem>>)
      } else {
      }
      %mul3A_236 = arith.constant 512 : i32
      %mul3A_237 = arith.muli %mul3A_236, %add3A_227 : i32
      %dma_wait3A_238 = tpu.memref_slice %arg6[%mul3A_237] : memref<10240xi32, #tpu.memory_space<vmem>> -> memref<512xi32, #tpu.memory_space<vmem>>
      %dma_wait3A_239 = arith.constant 0 : i32
      %dma_wait3A_240 = arith.constant 0 : i32
      %dma_wait3A_241 = tpu.memref_slice %arg2[%dma_wait3A_239, %dma_wait3A_240] : memref<1015808x32xf32, #tpu.memory_space<hbm>> -> memref<1015808x32xf32, #tpu.memory_space<hbm>>
      tpu.wait_indirect_dma semaphore(%arg11 : memref<!tpu.dma_semaphore, #tpu.memory_space<semaphore_mem>>) src(%dma_wait3A_241 : memref<1015808x32xf32, #tpu.memory_space<hbm>>) dst(%arg7 : memref<512x32xf32, #tpu.memory_space<vmem>>)
      %parallel_loop3A = arith.constant 0 : i32
      %parallel_loop3A_242 = arith.constant 1024 : i32
      %parallel_loop3A_243 = arith.constant 1 : i32
      scf.for %parallel_loop3A_469 = %parallel_loop3A to %parallel_loop3A_242 step %parallel_loop3A_243  : i32 {
        %parallel_loop3A_470 = arith.constant 5 : i32
        %parallel_loop3A_471 = arith.shrui %parallel_loop3A_469, %parallel_loop3A_470 : i32
        %parallel_loop3A_472 = arith.constant 31 : i32
        %parallel_loop3A_473 = arith.andi %parallel_loop3A_469, %parallel_loop3A_472 : i32
        %parallel_loop3A_474 = tpu.iota {dimensions = array<i32: 0>} : vector<16xi32>
        %parallel_loop3A_475 = arith.constant 16 : i32
        %parallel_loop3A_476 = arith.muli %parallel_loop3A_475, %parallel_loop3A_471 : i32
        %parallel_loop3A_477 = vector.broadcast %parallel_loop3A_476 : i32 to vector<16xi32>
        %parallel_loop3A_478 = arith.addi %parallel_loop3A_474, %parallel_loop3A_477 : vector<16xi32>
        %parallel_loop3A_479 = arith.constant 0 : i32
        %parallel_loop3A_480 = vector.broadcast %parallel_loop3A_479 : i32 to vector<16xi32>
        %parallel_loop3A_481 = vector.broadcast %parallel_loop3A_473 : i32 to vector<16xi32>
        %parallel_loop3A_482 = arith.addi %parallel_loop3A_480, %parallel_loop3A_481 : vector<16xi32>
        %parallel_loop3A_483 = tpu.vector_load_idx %arg7[%parallel_loop3A_478, %parallel_loop3A_482] : memref<512x32xf32, #tpu.memory_space<vmem>>[vector<16xi32>, vector<16xi32>], vector<16xf32>,
        %parallel_loop3A_484 = arith.constant 3 : i32
        %parallel_loop3A_485 = arith.shrui %parallel_loop3A_471, %parallel_loop3A_484 : i32
        %parallel_loop3A_486 = arith.constant 3 : i32
        %parallel_loop3A_487 = arith.shrui %parallel_loop3A_473, %parallel_loop3A_486 : i32
        %parallel_loop3A_488 = arith.constant 7 : i32
        %parallel_loop3A_489 = arith.andi %parallel_loop3A_473, %parallel_loop3A_488 : i32
        %parallel_loop3A_490 = arith.constant 7 : i32
        %parallel_loop3A_491 = arith.andi %parallel_loop3A_471, %parallel_loop3A_490 : i32
        %parallel_loop3A_492 = arith.constant 16 : i32
        %parallel_loop3A_493 = arith.muli %parallel_loop3A_492, %parallel_loop3A_491 : i32
        %parallel_loop3A_494 = arith.index_cast %parallel_loop3A_485 : i32 to index
        %parallel_loop3A_495 = arith.index_cast %parallel_loop3A_487 : i32 to index
        %parallel_loop3A_496 = arith.index_cast %parallel_loop3A_489 : i32 to index
        %parallel_loop3A_497 = arith.index_cast %parallel_loop3A_493 : i32 to index
        %parallel_loop3A_498 = tpu.vector_load %arg9[%parallel_loop3A_494, %parallel_loop3A_495, %parallel_loop3A_496, %parallel_loop3A_497] {strides = array<i32>} : memref<4x4x8x128xf32, #tpu.memory_space<vmem>>, vector<16xf32>,
        tpu.vector_store %arg9[%parallel_loop3A_494, %parallel_loop3A_495, %parallel_loop3A_496, %parallel_loop3A_497], %parallel_loop3A_483 {strides = array<i32>} : memref<4x4x8x128xf32, #tpu.memory_space<vmem>>, vector<16xf32>,
      } {sc.loop_unroll_factor = 16 : i64, sc.parallel_access}
      %mul3A_244 = arith.constant 4 : i32
      %mul3A_245 = arith.muli %add3A, %mul3A_244 : i32
      %add3A_246 = arith.constant 0 : i32
      %add3A_247 = arith.addi %mul3A_245, %add3A_246 : i32
      %dma_start3A_248 = arith.constant 0 : i32
      %dma_start3A_249 = arith.constant 0 : i32
      %dma_start3A_250 = arith.constant 0 : i32
      %dma_start3A_251 = arith.constant 0 : i32
      %dma_start3A_252 = tpu.memref_slice %arg9[%dma_start3A_248, %dma_start3A_249, %dma_start3A_250, %dma_start3A_251] : memref<4x4x8x128xf32, #tpu.memory_space<vmem>> -> memref<1x4x8x128xf32, #tpu.memory_space<vmem>>
      %dma_start3A_253 = tpu.memref_squeeze %dma_start3A_252 : memref<1x4x8x128xf32, #tpu.memory_space<vmem>> -> memref<4x8x128xf32, #tpu.memory_space<vmem>>
      %dma_start3A_254 = arith.constant 0 : i32
      %dma_start3A_255 = arith.constant 0 : i32
      %dma_start3A_256 = arith.constant 0 : i32
      %dma_start3A_257 = tpu.memref_slice %arg4[%add3A_227, %dma_start3A_254, %add3A_247, %dma_start3A_255, %dma_start3A_256] : memref<20x4x128x8x128xf32, #tpu.memory_space<hbm>> -> memref<1x4x1x8x128xf32, #tpu.memory_space<hbm>>
      %dma_start3A_258 = tpu.memref_squeeze %dma_start3A_257 : memref<1x4x1x8x128xf32, #tpu.memory_space<hbm>> -> memref<4x8x128xf32, #tpu.memory_space<hbm>>
      %dma_start3A_259 = arith.constant 0 : i32
      %dma_start3A_260 = arith.constant 0 : i32
      %dma_start3A_261 = arith.constant 0 : i32
      %dma_start3A_262 = tpu.memref_slice %arg4[%add3A_227, %dma_start3A_259, %add3A_247, %dma_start3A_260, %dma_start3A_261] : memref<20x4x128x8x128xf32, #tpu.memory_space<hbm>> -> memref<1x4x1x8x128xf32, #tpu.memory_space<hbm>>
      %dma_start3A_263 = tpu.memref_squeeze %dma_start3A_262 : memref<1x4x1x8x128xf32, #tpu.memory_space<hbm>> -> memref<4x8x128xf32, #tpu.memory_space<hbm>>
      %dma_start3A_264 = arith.constant 0 : i32
      %dma_start3A_265 = arith.constant 0 : i32
      %dma_start3A_266 = arith.constant 0 : i32
      %dma_start3A_267 = tpu.memref_slice %arg9[%dma_start3A_248, %dma_start3A_264, %dma_start3A_265, %dma_start3A_266] : memref<4x4x8x128xf32, #tpu.memory_space<vmem>> -> memref<1x4x8x128xf32, #tpu.memory_space<vmem>>
      %dma_start3A_268 = tpu.memref_squeeze %dma_start3A_267 : memref<1x4x8x128xf32, #tpu.memory_space<vmem>> -> memref<4x8x128xf32, #tpu.memory_space<vmem>>
      tpu.enqueue_dma source(%dma_start3A_268 : memref<4x8x128xf32, #tpu.memory_space<vmem>>) target(%dma_start3A_263 : memref<4x8x128xf32, #tpu.memory_space<hbm>>) target_semaphore(%arg13 : memref<!tpu.dma_semaphore, #tpu.memory_space<semaphore_mem>>)
      %mul3A_269 = arith.constant 4 : i32
      %mul3A_270 = arith.muli %add3A, %mul3A_269 : i32
      %add3A_271 = arith.constant 1 : i32
      %add3A_272 = arith.addi %mul3A_270, %add3A_271 : i32
      %dma_start3A_273 = arith.constant 1 : i32
      %dma_start3A_274 = arith.constant 0 : i32
      %dma_start3A_275 = arith.constant 0 : i32
      %dma_start3A_276 = arith.constant 0 : i32
      %dma_start3A_277 = tpu.memref_slice %arg9[%dma_start3A_273, %dma_start3A_274, %dma_start3A_275, %dma_start3A_276] : memref<4x4x8x128xf32, #tpu.memory_space<vmem>> -> memref<1x4x8x128xf32, #tpu.memory_space<vmem>>
      %dma_start3A_278 = tpu.memref_squeeze %dma_start3A_277 : memref<1x4x8x128xf32, #tpu.memory_space<vmem>> -> memref<4x8x128xf32, #tpu.memory_space<vmem>>
      %dma_start3A_279 = arith.constant 0 : i32
      %dma_start3A_280 = arith.constant 0 : i32
      %dma_start3A_281 = arith.constant 0 : i32
      %dma_start3A_282 = tpu.memref_slice %arg4[%add3A_227, %dma_start3A_279, %add3A_272, %dma_start3A_280, %dma_start3A_281] : memref<20x4x128x8x128xf32, #tpu.memory_space<hbm>> -> memref<1x4x1x8x128xf32, #tpu.memory_space<hbm>>
      %dma_start3A_283 = tpu.memref_squeeze %dma_start3A_282 : memref<1x4x1x8x128xf32, #tpu.memory_space<hbm>> -> memref<4x8x128xf32, #tpu.memory_space<hbm>>
      %dma_start3A_284 = arith.constant 0 : i32
      %dma_start3A_285 = arith.constant 0 : i32
      %dma_start3A_286 = arith.constant 0 : i32
      %dma_start3A_287 = tpu.memref_slice %arg4[%add3A_227, %dma_start3A_284, %add3A_272, %dma_start3A_285, %dma_start3A_286] : memref<20x4x128x8x128xf32, #tpu.memory_space<hbm>> -> memref<1x4x1x8x128xf32, #tpu.memory_space<hbm>>
      %dma_start3A_288 = tpu.memref_squeeze %dma_start3A_287 : memref<1x4x1x8x128xf32, #tpu.memory_space<hbm>> -> memref<4x8x128xf32, #tpu.memory_space<hbm>>
      %dma_start3A_289 = arith.constant 0 : i32
      %dma_start3A_290 = arith.constant 0 : i32
      %dma_start3A_291 = arith.constant 0 : i32
      %dma_start3A_292 = tpu.memref_slice %arg9[%dma_start3A_273, %dma_start3A_289, %dma_start3A_290, %dma_start3A_291] : memref<4x4x8x128xf32, #tpu.memory_space<vmem>> -> memref<1x4x8x128xf32, #tpu.memory_space<vmem>>
      %dma_start3A_293 = tpu.memref_squeeze %dma_start3A_292 : memref<1x4x8x128xf32, #tpu.memory_space<vmem>> -> memref<4x8x128xf32, #tpu.memory_space<vmem>>
      tpu.enqueue_dma source(%dma_start3A_293 : memref<4x8x128xf32, #tpu.memory_space<vmem>>) target(%dma_start3A_288 : memref<4x8x128xf32, #tpu.memory_space<hbm>>) target_semaphore(%arg13 : memref<!tpu.dma_semaphore, #tpu.memory_space<semaphore_mem>>)
      %mul3A_294 = arith.constant 4 : i32
      %mul3A_295 = arith.muli %add3A, %mul3A_294 : i32
      %add3A_296 = arith.constant 2 : i32
      %add3A_297 = arith.addi %mul3A_295, %add3A_296 : i32
      %dma_start3A_298 = arith.constant 2 : i32
      %dma_start3A_299 = arith.constant 0 : i32
      %dma_start3A_300 = arith.constant 0 : i32
      %dma_start3A_301 = arith.constant 0 : i32
      %dma_start3A_302 = tpu.memref_slice %arg9[%dma_start3A_298, %dma_start3A_299, %dma_start3A_300, %dma_start3A_301] : memref<4x4x8x128xf32, #tpu.memory_space<vmem>> -> memref<1x4x8x128xf32, #tpu.memory_space<vmem>>
      %dma_start3A_303 = tpu.memref_squeeze %dma_start3A_302 : memref<1x4x8x128xf32, #tpu.memory_space<vmem>> -> memref<4x8x128xf32, #tpu.memory_space<vmem>>
      %dma_start3A_304 = arith.constant 0 : i32
      %dma_start3A_305 = arith.constant 0 : i32
      %dma_start3A_306 = arith.constant 0 : i32
      %dma_start3A_307 = tpu.memref_slice %arg4[%add3A_227, %dma_start3A_304, %add3A_297, %dma_start3A_305, %dma_start3A_306] : memref<20x4x128x8x128xf32, #tpu.memory_space<hbm>> -> memref<1x4x1x8x128xf32, #tpu.memory_space<hbm>>
      %dma_start3A_308 = tpu.memref_squeeze %dma_start3A_307 : memref<1x4x1x8x128xf32, #tpu.memory_space<hbm>> -> memref<4x8x128xf32, #tpu.memory_space<hbm>>
      %dma_start3A_309 = arith.constant 0 : i32
      %dma_start3A_310 = arith.constant 0 : i32
      %dma_start3A_311 = arith.constant 0 : i32
      %dma_start3A_312 = tpu.memref_slice %arg4[%add3A_227, %dma_start3A_309, %add3A_297, %dma_start3A_310, %dma_start3A_311] : memref<20x4x128x8x128xf32, #tpu.memory_space<hbm>> -> memref<1x4x1x8x128xf32, #tpu.memory_space<hbm>>
      %dma_start3A_313 = tpu.memref_squeeze %dma_start3A_312 : memref<1x4x1x8x128xf32, #tpu.memory_space<hbm>> -> memref<4x8x128xf32, #tpu.memory_space<hbm>>
      %dma_start3A_314 = arith.constant 0 : i32
      %dma_start3A_315 = arith.constant 0 : i32
      %dma_start3A_316 = arith.constant 0 : i32
      %dma_start3A_317 = tpu.memref_slice %arg9[%dma_start3A_298, %dma_start3A_314, %dma_start3A_315, %dma_start3A_316] : memref<4x4x8x128xf32, #tpu.memory_space<vmem>> -> memref<1x4x8x128xf32, #tpu.memory_space<vmem>>
      %dma_start3A_318 = tpu.memref_squeeze %dma_start3A_317 : memref<1x4x8x128xf32, #tpu.memory_space<vmem>> -> memref<4x8x128xf32, #tpu.memory_space<vmem>>
      tpu.enqueue_dma source(%dma_start3A_318 : memref<4x8x128xf32, #tpu.memory_space<vmem>>) target(%dma_start3A_313 : memref<4x8x128xf32, #tpu.memory_space<hbm>>) target_semaphore(%arg13 : memref<!tpu.dma_semaphore, #tpu.memory_space<semaphore_mem>>)
      %mul3A_319 = arith.constant 4 : i32
      %mul3A_320 = arith.muli %add3A, %mul3A_319 : i32
      %add3A_321 = arith.constant 3 : i32
      %add3A_322 = arith.addi %mul3A_320, %add3A_321 : i32
      %dma_start3A_323 = arith.constant 3 : i32
      %dma_start3A_324 = arith.constant 0 : i32
      %dma_start3A_325 = arith.constant 0 : i32
      %dma_start3A_326 = arith.constant 0 : i32
      %dma_start3A_327 = tpu.memref_slice %arg9[%dma_start3A_323, %dma_start3A_324, %dma_start3A_325, %dma_start3A_326] : memref<4x4x8x128xf32, #tpu.memory_space<vmem>> -> memref<1x4x8x128xf32, #tpu.memory_space<vmem>>
      %dma_start3A_328 = tpu.memref_squeeze %dma_start3A_327 : memref<1x4x8x128xf32, #tpu.memory_space<vmem>> -> memref<4x8x128xf32, #tpu.memory_space<vmem>>
      %dma_start3A_329 = arith.constant 0 : i32
      %dma_start3A_330 = arith.constant 0 : i32
      %dma_start3A_331 = arith.constant 0 : i32
      %dma_start3A_332 = tpu.memref_slice %arg4[%add3A_227, %dma_start3A_329, %add3A_322, %dma_start3A_330, %dma_start3A_331] : memref<20x4x128x8x128xf32, #tpu.memory_space<hbm>> -> memref<1x4x1x8x128xf32, #tpu.memory_space<hbm>>
      %dma_start3A_333 = tpu.memref_squeeze %dma_start3A_332 : memref<1x4x1x8x128xf32, #tpu.memory_space<hbm>> -> memref<4x8x128xf32, #tpu.memory_space<hbm>>
      %dma_start3A_334 = arith.constant 0 : i32
      %dma_start3A_335 = arith.constant 0 : i32
      %dma_start3A_336 = arith.constant 0 : i32
      %dma_start3A_337 = tpu.memref_slice %arg4[%add3A_227, %dma_start3A_334, %add3A_322, %dma_start3A_335, %dma_start3A_336] : memref<20x4x128x8x128xf32, #tpu.memory_space<hbm>> -> memref<1x4x1x8x128xf32, #tpu.memory_space<hbm>>
      %dma_start3A_338 = tpu.memref_squeeze %dma_start3A_337 : memref<1x4x1x8x128xf32, #tpu.memory_space<hbm>> -> memref<4x8x128xf32, #tpu.memory_space<hbm>>
      %dma_start3A_339 = arith.constant 0 : i32
      %dma_start3A_340 = arith.constant 0 : i32
      %dma_start3A_341 = arith.constant 0 : i32
      %dma_start3A_342 = tpu.memref_slice %arg9[%dma_start3A_323, %dma_start3A_339, %dma_start3A_340, %dma_start3A_341] : memref<4x4x8x128xf32, #tpu.memory_space<vmem>> -> memref<1x4x8x128xf32, #tpu.memory_space<vmem>>
      %dma_start3A_343 = tpu.memref_squeeze %dma_start3A_342 : memref<1x4x8x128xf32, #tpu.memory_space<vmem>> -> memref<4x8x128xf32, #tpu.memory_space<vmem>>
      tpu.enqueue_dma source(%dma_start3A_343 : memref<4x8x128xf32, #tpu.memory_space<vmem>>) target(%dma_start3A_338 : memref<4x8x128xf32, #tpu.memory_space<hbm>>) target_semaphore(%arg13 : memref<!tpu.dma_semaphore, #tpu.memory_space<semaphore_mem>>)
      %mul3A_344 = arith.constant 2 : i32
      %mul3A_345 = arith.muli %mul3A_344, %scan3A_223 : i32
      %add3A_346 = arith.constant 1 : i32
      %add3A_347 = arith.addi %mul3A_345, %add3A_346 : i32
      %ge3A_348 = arith.constant 2 : i32
      %ge3A_349 = arith.cmpi sge, %add3A_347, %ge3A_348 : i32
      %convert_element_type3A_350 = arith.extui %ge3A_349 : i1 to i32
      %cond3A_351 = arith.constant 0 : i32
      %cond3A_352 = arith.cmpi ne, %convert_element_type3A_350, %cond3A_351 : i32
      scf.if %cond3A_352 {
        %sub3A = arith.constant 2 : i32
        %sub3A_469 = arith.subi %add3A_347, %sub3A : i32
        %mul3A_470 = arith.constant 4 : i32
        %mul3A_471 = arith.muli %add3A, %mul3A_470 : i32
        %add3A_472 = arith.constant 0 : i32
        %add3A_473 = arith.addi %mul3A_471, %add3A_472 : i32
        %dma_wait3A_474 = arith.constant 0 : i32
        %dma_wait3A_475 = arith.constant 0 : i32
        %dma_wait3A_476 = arith.constant 0 : i32
        %dma_wait3A_477 = arith.constant 0 : i32
        %dma_wait3A_478 = tpu.memref_slice %arg10[%dma_wait3A_474, %dma_wait3A_475, %dma_wait3A_476, %dma_wait3A_477] : memref<4x4x8x128xf32, #tpu.memory_space<vmem>> -> memref<1x4x8x128xf32, #tpu.memory_space<vmem>>
        %dma_wait3A_479 = tpu.memref_squeeze %dma_wait3A_478 : memref<1x4x8x128xf32, #tpu.memory_space<vmem>> -> memref<4x8x128xf32, #tpu.memory_space<vmem>>
        %dma_wait3A_480 = arith.constant 0 : i32
        %dma_wait3A_481 = arith.constant 0 : i32
        %dma_wait3A_482 = arith.constant 0 : i32
        %dma_wait3A_483 = tpu.memref_slice %arg4[%sub3A_469, %dma_wait3A_480, %add3A_473, %dma_wait3A_481, %dma_wait3A_482] : memref<20x4x128x8x128xf32, #tpu.memory_space<hbm>> -> memref<1x4x1x8x128xf32, #tpu.memory_space<hbm>>
        %dma_wait3A_484 = tpu.memref_squeeze %dma_wait3A_483 : memref<1x4x1x8x128xf32, #tpu.memory_space<hbm>> -> memref<4x8x128xf32, #tpu.memory_space<hbm>>
        %dma_wait3A_485 = arith.constant 0 : i32
        %dma_wait3A_486 = arith.constant 0 : i32
        %dma_wait3A_487 = arith.constant 0 : i32
        %dma_wait3A_488 = tpu.memref_slice %arg4[%sub3A_469, %dma_wait3A_485, %add3A_473, %dma_wait3A_486, %dma_wait3A_487] : memref<20x4x128x8x128xf32, #tpu.memory_space<hbm>> -> memref<1x4x1x8x128xf32, #tpu.memory_space<hbm>>
        %dma_wait3A_489 = tpu.memref_squeeze %dma_wait3A_488 : memref<1x4x1x8x128xf32, #tpu.memory_space<hbm>> -> memref<4x8x128xf32, #tpu.memory_space<hbm>>
        %dma_wait3A_490 = arith.constant 0 : i32
        %dma_wait3A_491 = arith.constant 0 : i32
        %dma_wait3A_492 = arith.constant 0 : i32
        %dma_wait3A_493 = tpu.memref_slice %arg10[%dma_wait3A_474, %dma_wait3A_490, %dma_wait3A_491, %dma_wait3A_492] : memref<4x4x8x128xf32, #tpu.memory_space<vmem>> -> memref<1x4x8x128xf32, #tpu.memory_space<vmem>>
        %dma_wait3A_494 = tpu.memref_squeeze %dma_wait3A_493 : memref<1x4x8x128xf32, #tpu.memory_space<vmem>> -> memref<4x8x128xf32, #tpu.memory_space<vmem>>
        tpu.wait_dma2 semaphore(%arg14 : memref<!tpu.dma_semaphore, #tpu.memory_space<semaphore_mem>>) src(%dma_wait3A_494 : memref<4x8x128xf32, #tpu.memory_space<vmem>>) dst(%dma_wait3A_489 : memref<4x8x128xf32, #tpu.memory_space<hbm>>)
        %mul3A_495 = arith.constant 4 : i32
        %mul3A_496 = arith.muli %add3A, %mul3A_495 : i32
        %add3A_497 = arith.constant 1 : i32
        %add3A_498 = arith.addi %mul3A_496, %add3A_497 : i32
        %dma_wait3A_499 = arith.constant 1 : i32
        %dma_wait3A_500 = arith.constant 0 : i32
        %dma_wait3A_501 = arith.constant 0 : i32
        %dma_wait3A_502 = arith.constant 0 : i32
        %dma_wait3A_503 = tpu.memref_slice %arg10[%dma_wait3A_499, %dma_wait3A_500, %dma_wait3A_501, %dma_wait3A_502] : memref<4x4x8x128xf32, #tpu.memory_space<vmem>> -> memref<1x4x8x128xf32, #tpu.memory_space<vmem>>
        %dma_wait3A_504 = tpu.memref_squeeze %dma_wait3A_503 : memref<1x4x8x128xf32, #tpu.memory_space<vmem>> -> memref<4x8x128xf32, #tpu.memory_space<vmem>>
        %dma_wait3A_505 = arith.constant 0 : i32
        %dma_wait3A_506 = arith.constant 0 : i32
        %dma_wait3A_507 = arith.constant 0 : i32
        %dma_wait3A_508 = tpu.memref_slice %arg4[%sub3A_469, %dma_wait3A_505, %add3A_498, %dma_wait3A_506, %dma_wait3A_507] : memref<20x4x128x8x128xf32, #tpu.memory_space<hbm>> -> memref<1x4x1x8x128xf32, #tpu.memory_space<hbm>>
        %dma_wait3A_509 = tpu.memref_squeeze %dma_wait3A_508 : memref<1x4x1x8x128xf32, #tpu.memory_space<hbm>> -> memref<4x8x128xf32, #tpu.memory_space<hbm>>
        %dma_wait3A_510 = arith.constant 0 : i32
        %dma_wait3A_511 = arith.constant 0 : i32
        %dma_wait3A_512 = arith.constant 0 : i32
        %dma_wait3A_513 = tpu.memref_slice %arg4[%sub3A_469, %dma_wait3A_510, %add3A_498, %dma_wait3A_511, %dma_wait3A_512] : memref<20x4x128x8x128xf32, #tpu.memory_space<hbm>> -> memref<1x4x1x8x128xf32, #tpu.memory_space<hbm>>
        %dma_wait3A_514 = tpu.memref_squeeze %dma_wait3A_513 : memref<1x4x1x8x128xf32, #tpu.memory_space<hbm>> -> memref<4x8x128xf32, #tpu.memory_space<hbm>>
        %dma_wait3A_515 = arith.constant 0 : i32
        %dma_wait3A_516 = arith.constant 0 : i32
        %dma_wait3A_517 = arith.constant 0 : i32
        %dma_wait3A_518 = tpu.memref_slice %arg10[%dma_wait3A_499, %dma_wait3A_515, %dma_wait3A_516, %dma_wait3A_517] : memref<4x4x8x128xf32, #tpu.memory_space<vmem>> -> memref<1x4x8x128xf32, #tpu.memory_space<vmem>>
        %dma_wait3A_519 = tpu.memref_squeeze %dma_wait3A_518 : memref<1x4x8x128xf32, #tpu.memory_space<vmem>> -> memref<4x8x128xf32, #tpu.memory_space<vmem>>
        tpu.wait_dma2 semaphore(%arg14 : memref<!tpu.dma_semaphore, #tpu.memory_space<semaphore_mem>>) src(%dma_wait3A_519 : memref<4x8x128xf32, #tpu.memory_space<vmem>>) dst(%dma_wait3A_514 : memref<4x8x128xf32, #tpu.memory_space<hbm>>)
        %mul3A_520 = arith.constant 4 : i32
        %mul3A_521 = arith.muli %add3A, %mul3A_520 : i32
        %add3A_522 = arith.constant 2 : i32
        %add3A_523 = arith.addi %mul3A_521, %add3A_522 : i32
        %dma_wait3A_524 = arith.constant 2 : i32
        %dma_wait3A_525 = arith.constant 0 : i32
        %dma_wait3A_526 = arith.constant 0 : i32
        %dma_wait3A_527 = arith.constant 0 : i32
        %dma_wait3A_528 = tpu.memref_slice %arg10[%dma_wait3A_524, %dma_wait3A_525, %dma_wait3A_526, %dma_wait3A_527] : memref<4x4x8x128xf32, #tpu.memory_space<vmem>> -> memref<1x4x8x128xf32, #tpu.memory_space<vmem>>
        %dma_wait3A_529 = tpu.memref_squeeze %dma_wait3A_528 : memref<1x4x8x128xf32, #tpu.memory_space<vmem>> -> memref<4x8x128xf32, #tpu.memory_space<vmem>>
        %dma_wait3A_530 = arith.constant 0 : i32
        %dma_wait3A_531 = arith.constant 0 : i32
        %dma_wait3A_532 = arith.constant 0 : i32
        %dma_wait3A_533 = tpu.memref_slice %arg4[%sub3A_469, %dma_wait3A_530, %add3A_523, %dma_wait3A_531, %dma_wait3A_532] : memref<20x4x128x8x128xf32, #tpu.memory_space<hbm>> -> memref<1x4x1x8x128xf32, #tpu.memory_space<hbm>>
        %dma_wait3A_534 = tpu.memref_squeeze %dma_wait3A_533 : memref<1x4x1x8x128xf32, #tpu.memory_space<hbm>> -> memref<4x8x128xf32, #tpu.memory_space<hbm>>
        %dma_wait3A_535 = arith.constant 0 : i32
        %dma_wait3A_536 = arith.constant 0 : i32
        %dma_wait3A_537 = arith.constant 0 : i32
        %dma_wait3A_538 = tpu.memref_slice %arg4[%sub3A_469, %dma_wait3A_535, %add3A_523, %dma_wait3A_536, %dma_wait3A_537] : memref<20x4x128x8x128xf32, #tpu.memory_space<hbm>> -> memref<1x4x1x8x128xf32, #tpu.memory_space<hbm>>
        %dma_wait3A_539 = tpu.memref_squeeze %dma_wait3A_538 : memref<1x4x1x8x128xf32, #tpu.memory_space<hbm>> -> memref<4x8x128xf32, #tpu.memory_space<hbm>>
        %dma_wait3A_540 = arith.constant 0 : i32
        %dma_wait3A_541 = arith.constant 0 : i32
        %dma_wait3A_542 = arith.constant 0 : i32
        %dma_wait3A_543 = tpu.memref_slice %arg10[%dma_wait3A_524, %dma_wait3A_540, %dma_wait3A_541, %dma_wait3A_542] : memref<4x4x8x128xf32, #tpu.memory_space<vmem>> -> memref<1x4x8x128xf32, #tpu.memory_space<vmem>>
        %dma_wait3A_544 = tpu.memref_squeeze %dma_wait3A_543 : memref<1x4x8x128xf32, #tpu.memory_space<vmem>> -> memref<4x8x128xf32, #tpu.memory_space<vmem>>
        tpu.wait_dma2 semaphore(%arg14 : memref<!tpu.dma_semaphore, #tpu.memory_space<semaphore_mem>>) src(%dma_wait3A_544 : memref<4x8x128xf32, #tpu.memory_space<vmem>>) dst(%dma_wait3A_539 : memref<4x8x128xf32, #tpu.memory_space<hbm>>)
        %mul3A_545 = arith.constant 4 : i32
        %mul3A_546 = arith.muli %add3A, %mul3A_545 : i32
        %add3A_547 = arith.constant 3 : i32
        %add3A_548 = arith.addi %mul3A_546, %add3A_547 : i32
        %dma_wait3A_549 = arith.constant 3 : i32
        %dma_wait3A_550 = arith.constant 0 : i32
        %dma_wait3A_551 = arith.constant 0 : i32
        %dma_wait3A_552 = arith.constant 0 : i32
        %dma_wait3A_553 = tpu.memref_slice %arg10[%dma_wait3A_549, %dma_wait3A_550, %dma_wait3A_551, %dma_wait3A_552] : memref<4x4x8x128xf32, #tpu.memory_space<vmem>> -> memref<1x4x8x128xf32, #tpu.memory_space<vmem>>
        %dma_wait3A_554 = tpu.memref_squeeze %dma_wait3A_553 : memref<1x4x8x128xf32, #tpu.memory_space<vmem>> -> memref<4x8x128xf32, #tpu.memory_space<vmem>>
        %dma_wait3A_555 = arith.constant 0 : i32
        %dma_wait3A_556 = arith.constant 0 : i32
        %dma_wait3A_557 = arith.constant 0 : i32
        %dma_wait3A_558 = tpu.memref_slice %arg4[%sub3A_469, %dma_wait3A_555, %add3A_548, %dma_wait3A_556, %dma_wait3A_557] : memref<20x4x128x8x128xf32, #tpu.memory_space<hbm>> -> memref<1x4x1x8x128xf32, #tpu.memory_space<hbm>>
        %dma_wait3A_559 = tpu.memref_squeeze %dma_wait3A_558 : memref<1x4x1x8x128xf32, #tpu.memory_space<hbm>> -> memref<4x8x128xf32, #tpu.memory_space<hbm>>
        %dma_wait3A_560 = arith.constant 0 : i32
        %dma_wait3A_561 = arith.constant 0 : i32
        %dma_wait3A_562 = arith.constant 0 : i32
        %dma_wait3A_563 = tpu.memref_slice %arg4[%sub3A_469, %dma_wait3A_560, %add3A_548, %dma_wait3A_561, %dma_wait3A_562] : memref<20x4x128x8x128xf32, #tpu.memory_space<hbm>> -> memref<1x4x1x8x128xf32, #tpu.memory_space<hbm>>
        %dma_wait3A_564 = tpu.memref_squeeze %dma_wait3A_563 : memref<1x4x1x8x128xf32, #tpu.memory_space<hbm>> -> memref<4x8x128xf32, #tpu.memory_space<hbm>>
        %dma_wait3A_565 = arith.constant 0 : i32
        %dma_wait3A_566 = arith.constant 0 : i32
        %dma_wait3A_567 = arith.constant 0 : i32
        %dma_wait3A_568 = tpu.memref_slice %arg10[%dma_wait3A_549, %dma_wait3A_565, %dma_wait3A_566, %dma_wait3A_567] : memref<4x4x8x128xf32, #tpu.memory_space<vmem>> -> memref<1x4x8x128xf32, #tpu.memory_space<vmem>>
        %dma_wait3A_569 = tpu.memref_squeeze %dma_wait3A_568 : memref<1x4x8x128xf32, #tpu.memory_space<vmem>> -> memref<4x8x128xf32, #tpu.memory_space<vmem>>
        tpu.wait_dma2 semaphore(%arg14 : memref<!tpu.dma_semaphore, #tpu.memory_space<semaphore_mem>>) src(%dma_wait3A_569 : memref<4x8x128xf32, #tpu.memory_space<vmem>>) dst(%dma_wait3A_564 : memref<4x8x128xf32, #tpu.memory_space<hbm>>)
      } else {
      }
      %add3A_353 = arith.constant 1 : i32
      %add3A_354 = arith.addi %add3A_347, %add3A_353 : i32
      %le3A_355 = arith.constant 19 : i32
      %le3A_356 = arith.cmpi sle, %add3A_354, %le3A_355 : i32
      %convert_element_type3A_357 = arith.extui %le3A_356 : i1 to i32
      %cond3A_358 = arith.constant 0 : i32
      %cond3A_359 = arith.cmpi ne, %convert_element_type3A_357, %cond3A_358 : i32
      scf.if %cond3A_359 {
        %add3A_469 = arith.constant 1 : i32
        %add3A_470 = arith.addi %add3A_347, %add3A_469 : i32
        %mul3A_471 = arith.constant 512 : i32
        %mul3A_472 = arith.muli %mul3A_471, %add3A_470 : i32
        %dma_start3A_473 = tpu.memref_slice %arg6[%mul3A_472] : memref<10240xi32, #tpu.memory_space<vmem>> -> memref<512xi32, #tpu.memory_space<vmem>>
        %dma_start3A_474 = arith.constant 0 : i32
        %dma_start3A_475 = arith.constant 0 : i32
        %dma_start3A_476 = tpu.memref_slice %arg2[%dma_start3A_474, %dma_start3A_475] : memref<1015808x32xf32, #tpu.memory_space<hbm>> -> memref<1015808x32xf32, #tpu.memory_space<hbm>>
        tpu.enqueue_indirect_dma source(%dma_start3A_476 : memref<1015808x32xf32, #tpu.memory_space<hbm>>) target(%arg7 : memref<512x32xf32, #tpu.memory_space<vmem>>) offsets(%dma_start3A_473 : memref<512xi32, #tpu.memory_space<vmem>>) semaphore(%arg11 : memref<!tpu.dma_semaphore, #tpu.memory_space<semaphore_mem>>)
      } else {
      }
      %mul3A_360 = arith.constant 512 : i32
      %mul3A_361 = arith.muli %mul3A_360, %add3A_347 : i32
      %dma_wait3A_362 = tpu.memref_slice %arg6[%mul3A_361] : memref<10240xi32, #tpu.memory_space<vmem>> -> memref<512xi32, #tpu.memory_space<vmem>>
      %dma_wait3A_363 = arith.constant 0 : i32
      %dma_wait3A_364 = arith.constant 0 : i32
      %dma_wait3A_365 = tpu.memref_slice %arg2[%dma_wait3A_363, %dma_wait3A_364] : memref<1015808x32xf32, #tpu.memory_space<hbm>> -> memref<1015808x32xf32, #tpu.memory_space<hbm>>
      tpu.wait_indirect_dma semaphore(%arg12 : memref<!tpu.dma_semaphore, #tpu.memory_space<semaphore_mem>>) src(%dma_wait3A_365 : memref<1015808x32xf32, #tpu.memory_space<hbm>>) dst(%arg8 : memref<512x32xf32, #tpu.memory_space<vmem>>)
      %parallel_loop3A_366 = arith.constant 0 : i32
      %parallel_loop3A_367 = arith.constant 1024 : i32
      %parallel_loop3A_368 = arith.constant 1 : i32
      scf.for %parallel_loop3A_469 = %parallel_loop3A_366 to %parallel_loop3A_367 step %parallel_loop3A_368  : i32 {
        %parallel_loop3A_470 = arith.constant 5 : i32
        %parallel_loop3A_471 = arith.shrui %parallel_loop3A_469, %parallel_loop3A_470 : i32
        %parallel_loop3A_472 = arith.constant 31 : i32
        %parallel_loop3A_473 = arith.andi %parallel_loop3A_469, %parallel_loop3A_472 : i32
        %parallel_loop3A_474 = tpu.iota {dimensions = array<i32: 0>} : vector<16xi32>
        %parallel_loop3A_475 = arith.constant 16 : i32
        %parallel_loop3A_476 = arith.muli %parallel_loop3A_475, %parallel_loop3A_471 : i32
        %parallel_loop3A_477 = vector.broadcast %parallel_loop3A_476 : i32 to vector<16xi32>
        %parallel_loop3A_478 = arith.addi %parallel_loop3A_474, %parallel_loop3A_477 : vector<16xi32>
        %parallel_loop3A_479 = arith.constant 0 : i32
        %parallel_loop3A_480 = vector.broadcast %parallel_loop3A_479 : i32 to vector<16xi32>
        %parallel_loop3A_481 = vector.broadcast %parallel_loop3A_473 : i32 to vector<16xi32>
        %parallel_loop3A_482 = arith.addi %parallel_loop3A_480, %parallel_loop3A_481 : vector<16xi32>
        %parallel_loop3A_483 = tpu.vector_load_idx %arg8[%parallel_loop3A_478, %parallel_loop3A_482] : memref<512x32xf32, #tpu.memory_space<vmem>>[vector<16xi32>, vector<16xi32>], vector<16xf32>,
        %parallel_loop3A_484 = arith.constant 3 : i32
        %parallel_loop3A_485 = arith.shrui %parallel_loop3A_471, %parallel_loop3A_484 : i32
        %parallel_loop3A_486 = arith.constant 3 : i32
        %parallel_loop3A_487 = arith.shrui %parallel_loop3A_473, %parallel_loop3A_486 : i32
        %parallel_loop3A_488 = arith.constant 7 : i32
        %parallel_loop3A_489 = arith.andi %parallel_loop3A_473, %parallel_loop3A_488 : i32
        %parallel_loop3A_490 = arith.constant 7 : i32
        %parallel_loop3A_491 = arith.andi %parallel_loop3A_471, %parallel_loop3A_490 : i32
        %parallel_loop3A_492 = arith.constant 16 : i32
        %parallel_loop3A_493 = arith.muli %parallel_loop3A_492, %parallel_loop3A_491 : i32
        %parallel_loop3A_494 = arith.index_cast %parallel_loop3A_485 : i32 to index
        %parallel_loop3A_495 = arith.index_cast %parallel_loop3A_487 : i32 to index
        %parallel_loop3A_496 = arith.index_cast %parallel_loop3A_489 : i32 to index
        %parallel_loop3A_497 = arith.index_cast %parallel_loop3A_493 : i32 to index
        %parallel_loop3A_498 = tpu.vector_load %arg10[%parallel_loop3A_494, %parallel_loop3A_495, %parallel_loop3A_496, %parallel_loop3A_497] {strides = array<i32>} : memref<4x4x8x128xf32, #tpu.memory_space<vmem>>, vector<16xf32>,
        tpu.vector_store %arg10[%parallel_loop3A_494, %parallel_loop3A_495, %parallel_loop3A_496, %parallel_loop3A_497], %parallel_loop3A_483 {strides = array<i32>} : memref<4x4x8x128xf32, #tpu.memory_space<vmem>>, vector<16xf32>,
      } {sc.loop_unroll_factor = 16 : i64, sc.parallel_access}
      %mul3A_369 = arith.constant 4 : i32
      %mul3A_370 = arith.muli %add3A, %mul3A_369 : i32
      %add3A_371 = arith.constant 0 : i32
      %add3A_372 = arith.addi %mul3A_370, %add3A_371 : i32
      %dma_start3A_373 = arith.constant 0 : i32
      %dma_start3A_374 = arith.constant 0 : i32
      %dma_start3A_375 = arith.constant 0 : i32
      %dma_start3A_376 = arith.constant 0 : i32
      %dma_start3A_377 = tpu.memref_slice %arg10[%dma_start3A_373, %dma_start3A_374, %dma_start3A_375, %dma_start3A_376] : memref<4x4x8x128xf32, #tpu.memory_space<vmem>> -> memref<1x4x8x128xf32, #tpu.memory_space<vmem>>
      %dma_start3A_378 = tpu.memref_squeeze %dma_start3A_377 : memref<1x4x8x128xf32, #tpu.memory_space<vmem>> -> memref<4x8x128xf32, #tpu.memory_space<vmem>>
      %dma_start3A_379 = arith.constant 0 : i32
      %dma_start3A_380 = arith.constant 0 : i32
      %dma_start3A_381 = arith.constant 0 : i32
      %dma_start3A_382 = tpu.memref_slice %arg4[%add3A_347, %dma_start3A_379, %add3A_372, %dma_start3A_380, %dma_start3A_381] : memref<20x4x128x8x128xf32, #tpu.memory_space<hbm>> -> memref<1x4x1x8x128xf32, #tpu.memory_space<hbm>>
      %dma_start3A_383 = tpu.memref_squeeze %dma_start3A_382 : memref<1x4x1x8x128xf32, #tpu.memory_space<hbm>> -> memref<4x8x128xf32, #tpu.memory_space<hbm>>
      %dma_start3A_384 = arith.constant 0 : i32
      %dma_start3A_385 = arith.constant 0 : i32
      %dma_start3A_386 = arith.constant 0 : i32
      %dma_start3A_387 = tpu.memref_slice %arg4[%add3A_347, %dma_start3A_384, %add3A_372, %dma_start3A_385, %dma_start3A_386] : memref<20x4x128x8x128xf32, #tpu.memory_space<hbm>> -> memref<1x4x1x8x128xf32, #tpu.memory_space<hbm>>
      %dma_start3A_388 = tpu.memref_squeeze %dma_start3A_387 : memref<1x4x1x8x128xf32, #tpu.memory_space<hbm>> -> memref<4x8x128xf32, #tpu.memory_space<hbm>>
      %dma_start3A_389 = arith.constant 0 : i32
      %dma_start3A_390 = arith.constant 0 : i32
      %dma_start3A_391 = arith.constant 0 : i32
      %dma_start3A_392 = tpu.memref_slice %arg10[%dma_start3A_373, %dma_start3A_389, %dma_start3A_390, %dma_start3A_391] : memref<4x4x8x128xf32, #tpu.memory_space<vmem>> -> memref<1x4x8x128xf32, #tpu.memory_space<vmem>>
      %dma_start3A_393 = tpu.memref_squeeze %dma_start3A_392 : memref<1x4x8x128xf32, #tpu.memory_space<vmem>> -> memref<4x8x128xf32, #tpu.memory_space<vmem>>
      tpu.enqueue_dma source(%dma_start3A_393 : memref<4x8x128xf32, #tpu.memory_space<vmem>>) target(%dma_start3A_388 : memref<4x8x128xf32, #tpu.memory_space<hbm>>) target_semaphore(%arg14 : memref<!tpu.dma_semaphore, #tpu.memory_space<semaphore_mem>>)
      %mul3A_394 = arith.constant 4 : i32
      %mul3A_395 = arith.muli %add3A, %mul3A_394 : i32
      %add3A_396 = arith.constant 1 : i32
      %add3A_397 = arith.addi %mul3A_395, %add3A_396 : i32
      %dma_start3A_398 = arith.constant 1 : i32
      %dma_start3A_399 = arith.constant 0 : i32
      %dma_start3A_400 = arith.constant 0 : i32
      %dma_start3A_401 = arith.constant 0 : i32
      %dma_start3A_402 = tpu.memref_slice %arg10[%dma_start3A_398, %dma_start3A_399, %dma_start3A_400, %dma_start3A_401] : memref<4x4x8x128xf32, #tpu.memory_space<vmem>> -> memref<1x4x8x128xf32, #tpu.memory_space<vmem>>
      %dma_start3A_403 = tpu.memref_squeeze %dma_start3A_402 : memref<1x4x8x128xf32, #tpu.memory_space<vmem>> -> memref<4x8x128xf32, #tpu.memory_space<vmem>>
      %dma_start3A_404 = arith.constant 0 : i32
      %dma_start3A_405 = arith.constant 0 : i32
      %dma_start3A_406 = arith.constant 0 : i32
      %dma_start3A_407 = tpu.memref_slice %arg4[%add3A_347, %dma_start3A_404, %add3A_397, %dma_start3A_405, %dma_start3A_406] : memref<20x4x128x8x128xf32, #tpu.memory_space<hbm>> -> memref<1x4x1x8x128xf32, #tpu.memory_space<hbm>>
      %dma_start3A_408 = tpu.memref_squeeze %dma_start3A_407 : memref<1x4x1x8x128xf32, #tpu.memory_space<hbm>> -> memref<4x8x128xf32, #tpu.memory_space<hbm>>
      %dma_start3A_409 = arith.constant 0 : i32
      %dma_start3A_410 = arith.constant 0 : i32
      %dma_start3A_411 = arith.constant 0 : i32
      %dma_start3A_412 = tpu.memref_slice %arg4[%add3A_347, %dma_start3A_409, %add3A_397, %dma_start3A_410, %dma_start3A_411] : memref<20x4x128x8x128xf32, #tpu.memory_space<hbm>> -> memref<1x4x1x8x128xf32, #tpu.memory_space<hbm>>
      %dma_start3A_413 = tpu.memref_squeeze %dma_start3A_412 : memref<1x4x1x8x128xf32, #tpu.memory_space<hbm>> -> memref<4x8x128xf32, #tpu.memory_space<hbm>>
      %dma_start3A_414 = arith.constant 0 : i32
      %dma_start3A_415 = arith.constant 0 : i32
      %dma_start3A_416 = arith.constant 0 : i32
      %dma_start3A_417 = tpu.memref_slice %arg10[%dma_start3A_398, %dma_start3A_414, %dma_start3A_415, %dma_start3A_416] : memref<4x4x8x128xf32, #tpu.memory_space<vmem>> -> memref<1x4x8x128xf32, #tpu.memory_space<vmem>>
      %dma_start3A_418 = tpu.memref_squeeze %dma_start3A_417 : memref<1x4x8x128xf32, #tpu.memory_space<vmem>> -> memref<4x8x128xf32, #tpu.memory_space<vmem>>
      tpu.enqueue_dma source(%dma_start3A_418 : memref<4x8x128xf32, #tpu.memory_space<vmem>>) target(%dma_start3A_413 : memref<4x8x128xf32, #tpu.memory_space<hbm>>) target_semaphore(%arg14 : memref<!tpu.dma_semaphore, #tpu.memory_space<semaphore_mem>>)
      %mul3A_419 = arith.constant 4 : i32
      %mul3A_420 = arith.muli %add3A, %mul3A_419 : i32
      %add3A_421 = arith.constant 2 : i32
      %add3A_422 = arith.addi %mul3A_420, %add3A_421 : i32
      %dma_start3A_423 = arith.constant 2 : i32
      %dma_start3A_424 = arith.constant 0 : i32
      %dma_start3A_425 = arith.constant 0 : i32
      %dma_start3A_426 = arith.constant 0 : i32
      %dma_start3A_427 = tpu.memref_slice %arg10[%dma_start3A_423, %dma_start3A_424, %dma_start3A_425, %dma_start3A_426] : memref<4x4x8x128xf32, #tpu.memory_space<vmem>> -> memref<1x4x8x128xf32, #tpu.memory_space<vmem>>
      %dma_start3A_428 = tpu.memref_squeeze %dma_start3A_427 : memref<1x4x8x128xf32, #tpu.memory_space<vmem>> -> memref<4x8x128xf32, #tpu.memory_space<vmem>>
      %dma_start3A_429 = arith.constant 0 : i32
      %dma_start3A_430 = arith.constant 0 : i32
      %dma_start3A_431 = arith.constant 0 : i32
      %dma_start3A_432 = tpu.memref_slice %arg4[%add3A_347, %dma_start3A_429, %add3A_422, %dma_start3A_430, %dma_start3A_431] : memref<20x4x128x8x128xf32, #tpu.memory_space<hbm>> -> memref<1x4x1x8x128xf32, #tpu.memory_space<hbm>>
      %dma_start3A_433 = tpu.memref_squeeze %dma_start3A_432 : memref<1x4x1x8x128xf32, #tpu.memory_space<hbm>> -> memref<4x8x128xf32, #tpu.memory_space<hbm>>
      %dma_start3A_434 = arith.constant 0 : i32
      %dma_start3A_435 = arith.constant 0 : i32
      %dma_start3A_436 = arith.constant 0 : i32
      %dma_start3A_437 = tpu.memref_slice %arg4[%add3A_347, %dma_start3A_434, %add3A_422, %dma_start3A_435, %dma_start3A_436] : memref<20x4x128x8x128xf32, #tpu.memory_space<hbm>> -> memref<1x4x1x8x128xf32, #tpu.memory_space<hbm>>
      %dma_start3A_438 = tpu.memref_squeeze %dma_start3A_437 : memref<1x4x1x8x128xf32, #tpu.memory_space<hbm>> -> memref<4x8x128xf32, #tpu.memory_space<hbm>>
      %dma_start3A_439 = arith.constant 0 : i32
      %dma_start3A_440 = arith.constant 0 : i32
      %dma_start3A_441 = arith.constant 0 : i32
      %dma_start3A_442 = tpu.memref_slice %arg10[%dma_start3A_423, %dma_start3A_439, %dma_start3A_440, %dma_start3A_441] : memref<4x4x8x128xf32, #tpu.memory_space<vmem>> -> memref<1x4x8x128xf32, #tpu.memory_space<vmem>>
      %dma_start3A_443 = tpu.memref_squeeze %dma_start3A_442 : memref<1x4x8x128xf32, #tpu.memory_space<vmem>> -> memref<4x8x128xf32, #tpu.memory_space<vmem>>
      tpu.enqueue_dma source(%dma_start3A_443 : memref<4x8x128xf32, #tpu.memory_space<vmem>>) target(%dma_start3A_438 : memref<4x8x128xf32, #tpu.memory_space<hbm>>) target_semaphore(%arg14 : memref<!tpu.dma_semaphore, #tpu.memory_space<semaphore_mem>>)
      %mul3A_444 = arith.constant 4 : i32
      %mul3A_445 = arith.muli %add3A, %mul3A_444 : i32
      %add3A_446 = arith.constant 3 : i32
      %add3A_447 = arith.addi %mul3A_445, %add3A_446 : i32
      %dma_start3A_448 = arith.constant 3 : i32
      %dma_start3A_449 = arith.constant 0 : i32
      %dma_start3A_450 = arith.constant 0 : i32
      %dma_start3A_451 = arith.constant 0 : i32
      %dma_start3A_452 = tpu.memref_slice %arg10[%dma_start3A_448, %dma_start3A_449, %dma_start3A_450, %dma_start3A_451] : memref<4x4x8x128xf32, #tpu.memory_space<vmem>> -> memref<1x4x8x128xf32, #tpu.memory_space<vmem>>
      %dma_start3A_453 = tpu.memref_squeeze %dma_start3A_452 : memref<1x4x8x128xf32, #tpu.memory_space<vmem>> -> memref<4x8x128xf32, #tpu.memory_space<vmem>>
      %dma_start3A_454 = arith.constant 0 : i32
      %dma_start3A_455 = arith.constant 0 : i32
      %dma_start3A_456 = arith.constant 0 : i32
      %dma_start3A_457 = tpu.memref_slice %arg4[%add3A_347, %dma_start3A_454, %add3A_447, %dma_start3A_455, %dma_start3A_456] : memref<20x4x128x8x128xf32, #tpu.memory_space<hbm>> -> memref<1x4x1x8x128xf32, #tpu.memory_space<hbm>>
      %dma_start3A_458 = tpu.memref_squeeze %dma_start3A_457 : memref<1x4x1x8x128xf32, #tpu.memory_space<hbm>> -> memref<4x8x128xf32, #tpu.memory_space<hbm>>
      %dma_start3A_459 = arith.constant 0 : i32
      %dma_start3A_460 = arith.constant 0 : i32
      %dma_start3A_461 = arith.constant 0 : i32
      %dma_start3A_462 = tpu.memref_slice %arg4[%add3A_347, %dma_start3A_459, %add3A_447, %dma_start3A_460, %dma_start3A_461] : memref<20x4x128x8x128xf32, #tpu.memory_space<hbm>> -> memref<1x4x1x8x128xf32, #tpu.memory_space<hbm>>
      %dma_start3A_463 = tpu.memref_squeeze %dma_start3A_462 : memref<1x4x1x8x128xf32, #tpu.memory_space<hbm>> -> memref<4x8x128xf32, #tpu.memory_space<hbm>>
      %dma_start3A_464 = arith.constant 0 : i32
      %dma_start3A_465 = arith.constant 0 : i32
      %dma_start3A_466 = arith.constant 0 : i32
      %dma_start3A_467 = tpu.memref_slice %arg10[%dma_start3A_448, %dma_start3A_464, %dma_start3A_465, %dma_start3A_466] : memref<4x4x8x128xf32, #tpu.memory_space<vmem>> -> memref<1x4x8x128xf32, #tpu.memory_space<vmem>>
      %dma_start3A_468 = tpu.memref_squeeze %dma_start3A_467 : memref<1x4x8x128xf32, #tpu.memory_space<vmem>> -> memref<4x8x128xf32, #tpu.memory_space<vmem>>
      tpu.enqueue_dma source(%dma_start3A_468 : memref<4x8x128xf32, #tpu.memory_space<vmem>>) target(%dma_start3A_463 : memref<4x8x128xf32, #tpu.memory_space<hbm>>) target_semaphore(%arg14 : memref<!tpu.dma_semaphore, #tpu.memory_space<semaphore_mem>>)
    }
    %scan3A_15 = arith.constant 10 : i32
    %mul3A_16 = arith.constant 4 : i32
    %mul3A_17 = arith.muli %add3A, %mul3A_16 : i32
    %add3A_18 = arith.constant 0 : i32
    %add3A_19 = arith.addi %mul3A_17, %add3A_18 : i32
    %dma_wait3A = arith.constant 0 : i32
    %dma_wait3A_20 = arith.constant 18 : i32
    %dma_wait3A_21 = arith.constant 0 : i32
    %dma_wait3A_22 = arith.constant 0 : i32
    %dma_wait3A_23 = arith.constant 0 : i32
    %dma_wait3A_24 = tpu.memref_slice %arg9[%dma_wait3A, %dma_wait3A_21, %dma_wait3A_22, %dma_wait3A_23] : memref<4x4x8x128xf32, #tpu.memory_space<vmem>> -> memref<1x4x8x128xf32, #tpu.memory_space<vmem>>
    %dma_wait3A_25 = tpu.memref_squeeze %dma_wait3A_24 : memref<1x4x8x128xf32, #tpu.memory_space<vmem>> -> memref<4x8x128xf32, #tpu.memory_space<vmem>>
    %dma_wait3A_26 = arith.constant 0 : i32
    %dma_wait3A_27 = arith.constant 0 : i32
    %dma_wait3A_28 = arith.constant 0 : i32
    %dma_wait3A_29 = tpu.memref_slice %arg4[%dma_wait3A_20, %dma_wait3A_26, %add3A_19, %dma_wait3A_27, %dma_wait3A_28] : memref<20x4x128x8x128xf32, #tpu.memory_space<hbm>> -> memref<1x4x1x8x128xf32, #tpu.memory_space<hbm>>
    %dma_wait3A_30 = tpu.memref_squeeze %dma_wait3A_29 : memref<1x4x1x8x128xf32, #tpu.memory_space<hbm>> -> memref<4x8x128xf32, #tpu.memory_space<hbm>>
    %dma_wait3A_31 = arith.constant 0 : i32
    %dma_wait3A_32 = arith.constant 0 : i32
    %dma_wait3A_33 = arith.constant 0 : i32
    %dma_wait3A_34 = tpu.memref_slice %arg4[%dma_wait3A_20, %dma_wait3A_31, %add3A_19, %dma_wait3A_32, %dma_wait3A_33] : memref<20x4x128x8x128xf32, #tpu.memory_space<hbm>> -> memref<1x4x1x8x128xf32, #tpu.memory_space<hbm>>
    %dma_wait3A_35 = tpu.memref_squeeze %dma_wait3A_34 : memref<1x4x1x8x128xf32, #tpu.memory_space<hbm>> -> memref<4x8x128xf32, #tpu.memory_space<hbm>>
    %dma_wait3A_36 = arith.constant 0 : i32
    %dma_wait3A_37 = arith.constant 0 : i32
    %dma_wait3A_38 = arith.constant 0 : i32
    %dma_wait3A_39 = tpu.memref_slice %arg9[%dma_wait3A, %dma_wait3A_36, %dma_wait3A_37, %dma_wait3A_38] : memref<4x4x8x128xf32, #tpu.memory_space<vmem>> -> memref<1x4x8x128xf32, #tpu.memory_space<vmem>>
    %dma_wait3A_40 = tpu.memref_squeeze %dma_wait3A_39 : memref<1x4x8x128xf32, #tpu.memory_space<vmem>> -> memref<4x8x128xf32, #tpu.memory_space<vmem>>
    tpu.wait_dma2 semaphore(%arg13 : memref<!tpu.dma_semaphore, #tpu.memory_space<semaphore_mem>>) src(%dma_wait3A_40 : memref<4x8x128xf32, #tpu.memory_space<vmem>>) dst(%dma_wait3A_35 : memref<4x8x128xf32, #tpu.memory_space<hbm>>)
    %mul3A_41 = arith.constant 4 : i32
    %mul3A_42 = arith.muli %add3A, %mul3A_41 : i32
    %add3A_43 = arith.constant 1 : i32
    %add3A_44 = arith.addi %mul3A_42, %add3A_43 : i32
    %dma_wait3A_45 = arith.constant 1 : i32
    %dma_wait3A_46 = arith.constant 18 : i32
    %dma_wait3A_47 = arith.constant 0 : i32
    %dma_wait3A_48 = arith.constant 0 : i32
    %dma_wait3A_49 = arith.constant 0 : i32
    %dma_wait3A_50 = tpu.memref_slice %arg9[%dma_wait3A_45, %dma_wait3A_47, %dma_wait3A_48, %dma_wait3A_49] : memref<4x4x8x128xf32, #tpu.memory_space<vmem>> -> memref<1x4x8x128xf32, #tpu.memory_space<vmem>>
    %dma_wait3A_51 = tpu.memref_squeeze %dma_wait3A_50 : memref<1x4x8x128xf32, #tpu.memory_space<vmem>> -> memref<4x8x128xf32, #tpu.memory_space<vmem>>
    %dma_wait3A_52 = arith.constant 0 : i32
    %dma_wait3A_53 = arith.constant 0 : i32
    %dma_wait3A_54 = arith.constant 0 : i32
    %dma_wait3A_55 = tpu.memref_slice %arg4[%dma_wait3A_46, %dma_wait3A_52, %add3A_44, %dma_wait3A_53, %dma_wait3A_54] : memref<20x4x128x8x128xf32, #tpu.memory_space<hbm>> -> memref<1x4x1x8x128xf32, #tpu.memory_space<hbm>>
    %dma_wait3A_56 = tpu.memref_squeeze %dma_wait3A_55 : memref<1x4x1x8x128xf32, #tpu.memory_space<hbm>> -> memref<4x8x128xf32, #tpu.memory_space<hbm>>
    %dma_wait3A_57 = arith.constant 0 : i32
    %dma_wait3A_58 = arith.constant 0 : i32
    %dma_wait3A_59 = arith.constant 0 : i32
    %dma_wait3A_60 = tpu.memref_slice %arg4[%dma_wait3A_46, %dma_wait3A_57, %add3A_44, %dma_wait3A_58, %dma_wait3A_59] : memref<20x4x128x8x128xf32, #tpu.memory_space<hbm>> -> memref<1x4x1x8x128xf32, #tpu.memory_space<hbm>>
    %dma_wait3A_61 = tpu.memref_squeeze %dma_wait3A_60 : memref<1x4x1x8x128xf32, #tpu.memory_space<hbm>> -> memref<4x8x128xf32, #tpu.memory_space<hbm>>
    %dma_wait3A_62 = arith.constant 0 : i32
    %dma_wait3A_63 = arith.constant 0 : i32
    %dma_wait3A_64 = arith.constant 0 : i32
    %dma_wait3A_65 = tpu.memref_slice %arg9[%dma_wait3A_45, %dma_wait3A_62, %dma_wait3A_63, %dma_wait3A_64] : memref<4x4x8x128xf32, #tpu.memory_space<vmem>> -> memref<1x4x8x128xf32, #tpu.memory_space<vmem>>
    %dma_wait3A_66 = tpu.memref_squeeze %dma_wait3A_65 : memref<1x4x8x128xf32, #tpu.memory_space<vmem>> -> memref<4x8x128xf32, #tpu.memory_space<vmem>>
    tpu.wait_dma2 semaphore(%arg13 : memref<!tpu.dma_semaphore, #tpu.memory_space<semaphore_mem>>) src(%dma_wait3A_66 : memref<4x8x128xf32, #tpu.memory_space<vmem>>) dst(%dma_wait3A_61 : memref<4x8x128xf32, #tpu.memory_space<hbm>>)
    %mul3A_67 = arith.constant 4 : i32
    %mul3A_68 = arith.muli %add3A, %mul3A_67 : i32
    %add3A_69 = arith.constant 2 : i32
    %add3A_70 = arith.addi %mul3A_68, %add3A_69 : i32
    %dma_wait3A_71 = arith.constant 2 : i32
    %dma_wait3A_72 = arith.constant 18 : i32
    %dma_wait3A_73 = arith.constant 0 : i32
    %dma_wait3A_74 = arith.constant 0 : i32
    %dma_wait3A_75 = arith.constant 0 : i32
    %dma_wait3A_76 = tpu.memref_slice %arg9[%dma_wait3A_71, %dma_wait3A_73, %dma_wait3A_74, %dma_wait3A_75] : memref<4x4x8x128xf32, #tpu.memory_space<vmem>> -> memref<1x4x8x128xf32, #tpu.memory_space<vmem>>
    %dma_wait3A_77 = tpu.memref_squeeze %dma_wait3A_76 : memref<1x4x8x128xf32, #tpu.memory_space<vmem>> -> memref<4x8x128xf32, #tpu.memory_space<vmem>>
    %dma_wait3A_78 = arith.constant 0 : i32
    %dma_wait3A_79 = arith.constant 0 : i32
    %dma_wait3A_80 = arith.constant 0 : i32
    %dma_wait3A_81 = tpu.memref_slice %arg4[%dma_wait3A_72, %dma_wait3A_78, %add3A_70, %dma_wait3A_79, %dma_wait3A_80] : memref<20x4x128x8x128xf32, #tpu.memory_space<hbm>> -> memref<1x4x1x8x128xf32, #tpu.memory_space<hbm>>
    %dma_wait3A_82 = tpu.memref_squeeze %dma_wait3A_81 : memref<1x4x1x8x128xf32, #tpu.memory_space<hbm>> -> memref<4x8x128xf32, #tpu.memory_space<hbm>>
    %dma_wait3A_83 = arith.constant 0 : i32
    %dma_wait3A_84 = arith.constant 0 : i32
    %dma_wait3A_85 = arith.constant 0 : i32
    %dma_wait3A_86 = tpu.memref_slice %arg4[%dma_wait3A_72, %dma_wait3A_83, %add3A_70, %dma_wait3A_84, %dma_wait3A_85] : memref<20x4x128x8x128xf32, #tpu.memory_space<hbm>> -> memref<1x4x1x8x128xf32, #tpu.memory_space<hbm>>
    %dma_wait3A_87 = tpu.memref_squeeze %dma_wait3A_86 : memref<1x4x1x8x128xf32, #tpu.memory_space<hbm>> -> memref<4x8x128xf32, #tpu.memory_space<hbm>>
    %dma_wait3A_88 = arith.constant 0 : i32
    %dma_wait3A_89 = arith.constant 0 : i32
    %dma_wait3A_90 = arith.constant 0 : i32
    %dma_wait3A_91 = tpu.memref_slice %arg9[%dma_wait3A_71, %dma_wait3A_88, %dma_wait3A_89, %dma_wait3A_90] : memref<4x4x8x128xf32, #tpu.memory_space<vmem>> -> memref<1x4x8x128xf32, #tpu.memory_space<vmem>>
    %dma_wait3A_92 = tpu.memref_squeeze %dma_wait3A_91 : memref<1x4x8x128xf32, #tpu.memory_space<vmem>> -> memref<4x8x128xf32, #tpu.memory_space<vmem>>
    tpu.wait_dma2 semaphore(%arg13 : memref<!tpu.dma_semaphore, #tpu.memory_space<semaphore_mem>>) src(%dma_wait3A_92 : memref<4x8x128xf32, #tpu.memory_space<vmem>>) dst(%dma_wait3A_87 : memref<4x8x128xf32, #tpu.memory_space<hbm>>)
    %mul3A_93 = arith.constant 4 : i32
    %mul3A_94 = arith.muli %add3A, %mul3A_93 : i32
    %add3A_95 = arith.constant 3 : i32
    %add3A_96 = arith.addi %mul3A_94, %add3A_95 : i32
    %dma_wait3A_97 = arith.constant 3 : i32
    %dma_wait3A_98 = arith.constant 18 : i32
    %dma_wait3A_99 = arith.constant 0 : i32
    %dma_wait3A_100 = arith.constant 0 : i32
    %dma_wait3A_101 = arith.constant 0 : i32
    %dma_wait3A_102 = tpu.memref_slice %arg9[%dma_wait3A_97, %dma_wait3A_99, %dma_wait3A_100, %dma_wait3A_101] : memref<4x4x8x128xf32, #tpu.memory_space<vmem>> -> memref<1x4x8x128xf32, #tpu.memory_space<vmem>>
    %dma_wait3A_103 = tpu.memref_squeeze %dma_wait3A_102 : memref<1x4x8x128xf32, #tpu.memory_space<vmem>> -> memref<4x8x128xf32, #tpu.memory_space<vmem>>
    %dma_wait3A_104 = arith.constant 0 : i32
    %dma_wait3A_105 = arith.constant 0 : i32
    %dma_wait3A_106 = arith.constant 0 : i32
    %dma_wait3A_107 = tpu.memref_slice %arg4[%dma_wait3A_98, %dma_wait3A_104, %add3A_96, %dma_wait3A_105, %dma_wait3A_106] : memref<20x4x128x8x128xf32, #tpu.memory_space<hbm>> -> memref<1x4x1x8x128xf32, #tpu.memory_space<hbm>>
    %dma_wait3A_108 = tpu.memref_squeeze %dma_wait3A_107 : memref<1x4x1x8x128xf32, #tpu.memory_space<hbm>> -> memref<4x8x128xf32, #tpu.memory_space<hbm>>
    %dma_wait3A_109 = arith.constant 0 : i32
    %dma_wait3A_110 = arith.constant 0 : i32
    %dma_wait3A_111 = arith.constant 0 : i32
    %dma_wait3A_112 = tpu.memref_slice %arg4[%dma_wait3A_98, %dma_wait3A_109, %add3A_96, %dma_wait3A_110, %dma_wait3A_111] : memref<20x4x128x8x128xf32, #tpu.memory_space<hbm>> -> memref<1x4x1x8x128xf32, #tpu.memory_space<hbm>>
    %dma_wait3A_113 = tpu.memref_squeeze %dma_wait3A_112 : memref<1x4x1x8x128xf32, #tpu.memory_space<hbm>> -> memref<4x8x128xf32, #tpu.memory_space<hbm>>
    %dma_wait3A_114 = arith.constant 0 : i32
    %dma_wait3A_115 = arith.constant 0 : i32
    %dma_wait3A_116 = arith.constant 0 : i32
    %dma_wait3A_117 = tpu.memref_slice %arg9[%dma_wait3A_97, %dma_wait3A_114, %dma_wait3A_115, %dma_wait3A_116] : memref<4x4x8x128xf32, #tpu.memory_space<vmem>> -> memref<1x4x8x128xf32, #tpu.memory_space<vmem>>
    %dma_wait3A_118 = tpu.memref_squeeze %dma_wait3A_117 : memref<1x4x8x128xf32, #tpu.memory_space<vmem>> -> memref<4x8x128xf32, #tpu.memory_space<vmem>>
    tpu.wait_dma2 semaphore(%arg13 : memref<!tpu.dma_semaphore, #tpu.memory_space<semaphore_mem>>) src(%dma_wait3A_118 : memref<4x8x128xf32, #tpu.memory_space<vmem>>) dst(%dma_wait3A_113 : memref<4x8x128xf32, #tpu.memory_space<hbm>>)
    %mul3A_119 = arith.constant 4 : i32
    %mul3A_120 = arith.muli %add3A, %mul3A_119 : i32
    %add3A_121 = arith.constant 0 : i32
    %add3A_122 = arith.addi %mul3A_120, %add3A_121 : i32
    %dma_wait3A_123 = arith.constant 0 : i32
    %dma_wait3A_124 = arith.constant 19 : i32
    %dma_wait3A_125 = arith.constant 0 : i32
    %dma_wait3A_126 = arith.constant 0 : i32
    %dma_wait3A_127 = arith.constant 0 : i32
    %dma_wait3A_128 = tpu.memref_slice %arg10[%dma_wait3A_123, %dma_wait3A_125, %dma_wait3A_126, %dma_wait3A_127] : memref<4x4x8x128xf32, #tpu.memory_space<vmem>> -> memref<1x4x8x128xf32, #tpu.memory_space<vmem>>
    %dma_wait3A_129 = tpu.memref_squeeze %dma_wait3A_128 : memref<1x4x8x128xf32, #tpu.memory_space<vmem>> -> memref<4x8x128xf32, #tpu.memory_space<vmem>>
    %dma_wait3A_130 = arith.constant 0 : i32
    %dma_wait3A_131 = arith.constant 0 : i32
    %dma_wait3A_132 = arith.constant 0 : i32
    %dma_wait3A_133 = tpu.memref_slice %arg4[%dma_wait3A_124, %dma_wait3A_130, %add3A_122, %dma_wait3A_131, %dma_wait3A_132] : memref<20x4x128x8x128xf32, #tpu.memory_space<hbm>> -> memref<1x4x1x8x128xf32, #tpu.memory_space<hbm>>
    %dma_wait3A_134 = tpu.memref_squeeze %dma_wait3A_133 : memref<1x4x1x8x128xf32, #tpu.memory_space<hbm>> -> memref<4x8x128xf32, #tpu.memory_space<hbm>>
    %dma_wait3A_135 = arith.constant 0 : i32
    %dma_wait3A_136 = arith.constant 0 : i32
    %dma_wait3A_137 = arith.constant 0 : i32
    %dma_wait3A_138 = tpu.memref_slice %arg4[%dma_wait3A_124, %dma_wait3A_135, %add3A_122, %dma_wait3A_136, %dma_wait3A_137] : memref<20x4x128x8x128xf32, #tpu.memory_space<hbm>> -> memref<1x4x1x8x128xf32, #tpu.memory_space<hbm>>
    %dma_wait3A_139 = tpu.memref_squeeze %dma_wait3A_138 : memref<1x4x1x8x128xf32, #tpu.memory_space<hbm>> -> memref<4x8x128xf32, #tpu.memory_space<hbm>>
    %dma_wait3A_140 = arith.constant 0 : i32
    %dma_wait3A_141 = arith.constant 0 : i32
    %dma_wait3A_142 = arith.constant 0 : i32
    %dma_wait3A_143 = tpu.memref_slice %arg10[%dma_wait3A_123, %dma_wait3A_140, %dma_wait3A_141, %dma_wait3A_142] : memref<4x4x8x128xf32, #tpu.memory_space<vmem>> -> memref<1x4x8x128xf32, #tpu.memory_space<vmem>>
    %dma_wait3A_144 = tpu.memref_squeeze %dma_wait3A_143 : memref<1x4x8x128xf32, #tpu.memory_space<vmem>> -> memref<4x8x128xf32, #tpu.memory_space<vmem>>
    tpu.wait_dma2 semaphore(%arg14 : memref<!tpu.dma_semaphore, #tpu.memory_space<semaphore_mem>>) src(%dma_wait3A_144 : memref<4x8x128xf32, #tpu.memory_space<vmem>>) dst(%dma_wait3A_139 : memref<4x8x128xf32, #tpu.memory_space<hbm>>)
    %mul3A_145 = arith.constant 4 : i32
    %mul3A_146 = arith.muli %add3A, %mul3A_145 : i32
    %add3A_147 = arith.constant 1 : i32
    %add3A_148 = arith.addi %mul3A_146, %add3A_147 : i32
    %dma_wait3A_149 = arith.constant 1 : i32
    %dma_wait3A_150 = arith.constant 19 : i32
    %dma_wait3A_151 = arith.constant 0 : i32
    %dma_wait3A_152 = arith.constant 0 : i32
    %dma_wait3A_153 = arith.constant 0 : i32
    %dma_wait3A_154 = tpu.memref_slice %arg10[%dma_wait3A_149, %dma_wait3A_151, %dma_wait3A_152, %dma_wait3A_153] : memref<4x4x8x128xf32, #tpu.memory_space<vmem>> -> memref<1x4x8x128xf32, #tpu.memory_space<vmem>>
    %dma_wait3A_155 = tpu.memref_squeeze %dma_wait3A_154 : memref<1x4x8x128xf32, #tpu.memory_space<vmem>> -> memref<4x8x128xf32, #tpu.memory_space<vmem>>
    %dma_wait3A_156 = arith.constant 0 : i32
    %dma_wait3A_157 = arith.constant 0 : i32
    %dma_wait3A_158 = arith.constant 0 : i32
    %dma_wait3A_159 = tpu.memref_slice %arg4[%dma_wait3A_150, %dma_wait3A_156, %add3A_148, %dma_wait3A_157, %dma_wait3A_158] : memref<20x4x128x8x128xf32, #tpu.memory_space<hbm>> -> memref<1x4x1x8x128xf32, #tpu.memory_space<hbm>>
    %dma_wait3A_160 = tpu.memref_squeeze %dma_wait3A_159 : memref<1x4x1x8x128xf32, #tpu.memory_space<hbm>> -> memref<4x8x128xf32, #tpu.memory_space<hbm>>
    %dma_wait3A_161 = arith.constant 0 : i32
    %dma_wait3A_162 = arith.constant 0 : i32
    %dma_wait3A_163 = arith.constant 0 : i32
    %dma_wait3A_164 = tpu.memref_slice %arg4[%dma_wait3A_150, %dma_wait3A_161, %add3A_148, %dma_wait3A_162, %dma_wait3A_163] : memref<20x4x128x8x128xf32, #tpu.memory_space<hbm>> -> memref<1x4x1x8x128xf32, #tpu.memory_space<hbm>>
    %dma_wait3A_165 = tpu.memref_squeeze %dma_wait3A_164 : memref<1x4x1x8x128xf32, #tpu.memory_space<hbm>> -> memref<4x8x128xf32, #tpu.memory_space<hbm>>
    %dma_wait3A_166 = arith.constant 0 : i32
    %dma_wait3A_167 = arith.constant 0 : i32
    %dma_wait3A_168 = arith.constant 0 : i32
    %dma_wait3A_169 = tpu.memref_slice %arg10[%dma_wait3A_149, %dma_wait3A_166, %dma_wait3A_167, %dma_wait3A_168] : memref<4x4x8x128xf32, #tpu.memory_space<vmem>> -> memref<1x4x8x128xf32, #tpu.memory_space<vmem>>
    %dma_wait3A_170 = tpu.memref_squeeze %dma_wait3A_169 : memref<1x4x8x128xf32, #tpu.memory_space<vmem>> -> memref<4x8x128xf32, #tpu.memory_space<vmem>>
    tpu.wait_dma2 semaphore(%arg14 : memref<!tpu.dma_semaphore, #tpu.memory_space<semaphore_mem>>) src(%dma_wait3A_170 : memref<4x8x128xf32, #tpu.memory_space<vmem>>) dst(%dma_wait3A_165 : memref<4x8x128xf32, #tpu.memory_space<hbm>>)
    %mul3A_171 = arith.constant 4 : i32
    %mul3A_172 = arith.muli %add3A, %mul3A_171 : i32
    %add3A_173 = arith.constant 2 : i32
    %add3A_174 = arith.addi %mul3A_172, %add3A_173 : i32
    %dma_wait3A_175 = arith.constant 2 : i32
    %dma_wait3A_176 = arith.constant 19 : i32
    %dma_wait3A_177 = arith.constant 0 : i32
    %dma_wait3A_178 = arith.constant 0 : i32
    %dma_wait3A_179 = arith.constant 0 : i32
    %dma_wait3A_180 = tpu.memref_slice %arg10[%dma_wait3A_175, %dma_wait3A_177, %dma_wait3A_178, %dma_wait3A_179] : memref<4x4x8x128xf32, #tpu.memory_space<vmem>> -> memref<1x4x8x128xf32, #tpu.memory_space<vmem>>
    %dma_wait3A_181 = tpu.memref_squeeze %dma_wait3A_180 : memref<1x4x8x128xf32, #tpu.memory_space<vmem>> -> memref<4x8x128xf32, #tpu.memory_space<vmem>>
    %dma_wait3A_182 = arith.constant 0 : i32
    %dma_wait3A_183 = arith.constant 0 : i32
    %dma_wait3A_184 = arith.constant 0 : i32
    %dma_wait3A_185 = tpu.memref_slice %arg4[%dma_wait3A_176, %dma_wait3A_182, %add3A_174, %dma_wait3A_183, %dma_wait3A_184] : memref<20x4x128x8x128xf32, #tpu.memory_space<hbm>> -> memref<1x4x1x8x128xf32, #tpu.memory_space<hbm>>
    %dma_wait3A_186 = tpu.memref_squeeze %dma_wait3A_185 : memref<1x4x1x8x128xf32, #tpu.memory_space<hbm>> -> memref<4x8x128xf32, #tpu.memory_space<hbm>>
    %dma_wait3A_187 = arith.constant 0 : i32
    %dma_wait3A_188 = arith.constant 0 : i32
    %dma_wait3A_189 = arith.constant 0 : i32
    %dma_wait3A_190 = tpu.memref_slice %arg4[%dma_wait3A_176, %dma_wait3A_187, %add3A_174, %dma_wait3A_188, %dma_wait3A_189] : memref<20x4x128x8x128xf32, #tpu.memory_space<hbm>> -> memref<1x4x1x8x128xf32, #tpu.memory_space<hbm>>
    %dma_wait3A_191 = tpu.memref_squeeze %dma_wait3A_190 : memref<1x4x1x8x128xf32, #tpu.memory_space<hbm>> -> memref<4x8x128xf32, #tpu.memory_space<hbm>>
    %dma_wait3A_192 = arith.constant 0 : i32
    %dma_wait3A_193 = arith.constant 0 : i32
    %dma_wait3A_194 = arith.constant 0 : i32
    %dma_wait3A_195 = tpu.memref_slice %arg10[%dma_wait3A_175, %dma_wait3A_192, %dma_wait3A_193, %dma_wait3A_194] : memref<4x4x8x128xf32, #tpu.memory_space<vmem>> -> memref<1x4x8x128xf32, #tpu.memory_space<vmem>>
    %dma_wait3A_196 = tpu.memref_squeeze %dma_wait3A_195 : memref<1x4x8x128xf32, #tpu.memory_space<vmem>> -> memref<4x8x128xf32, #tpu.memory_space<vmem>>
    tpu.wait_dma2 semaphore(%arg14 : memref<!tpu.dma_semaphore, #tpu.memory_space<semaphore_mem>>) src(%dma_wait3A_196 : memref<4x8x128xf32, #tpu.memory_space<vmem>>) dst(%dma_wait3A_191 : memref<4x8x128xf32, #tpu.memory_space<hbm>>)
    %mul3A_197 = arith.constant 4 : i32
    %mul3A_198 = arith.muli %add3A, %mul3A_197 : i32
    %add3A_199 = arith.constant 3 : i32
    %add3A_200 = arith.addi %mul3A_198, %add3A_199 : i32
    %dma_wait3A_201 = arith.constant 3 : i32
    %dma_wait3A_202 = arith.constant 19 : i32
    %dma_wait3A_203 = arith.constant 0 : i32
    %dma_wait3A_204 = arith.constant 0 : i32
    %dma_wait3A_205 = arith.constant 0 : i32
    %dma_wait3A_206 = tpu.memref_slice %arg10[%dma_wait3A_201, %dma_wait3A_203, %dma_wait3A_204, %dma_wait3A_205] : memref<4x4x8x128xf32, #tpu.memory_space<vmem>> -> memref<1x4x8x128xf32, #tpu.memory_space<vmem>>
    %dma_wait3A_207 = tpu.memref_squeeze %dma_wait3A_206 : memref<1x4x8x128xf32, #tpu.memory_space<vmem>> -> memref<4x8x128xf32, #tpu.memory_space<vmem>>
    %dma_wait3A_208 = arith.constant 0 : i32
    %dma_wait3A_209 = arith.constant 0 : i32
    %dma_wait3A_210 = arith.constant 0 : i32
    %dma_wait3A_211 = tpu.memref_slice %arg4[%dma_wait3A_202, %dma_wait3A_208, %add3A_200, %dma_wait3A_209, %dma_wait3A_210] : memref<20x4x128x8x128xf32, #tpu.memory_space<hbm>> -> memref<1x4x1x8x128xf32, #tpu.memory_space<hbm>>
    %dma_wait3A_212 = tpu.memref_squeeze %dma_wait3A_211 : memref<1x4x1x8x128xf32, #tpu.memory_space<hbm>> -> memref<4x8x128xf32, #tpu.memory_space<hbm>>
    %dma_wait3A_213 = arith.constant 0 : i32
    %dma_wait3A_214 = arith.constant 0 : i32
    %dma_wait3A_215 = arith.constant 0 : i32
    %dma_wait3A_216 = tpu.memref_slice %arg4[%dma_wait3A_202, %dma_wait3A_213, %add3A_200, %dma_wait3A_214, %dma_wait3A_215] : memref<20x4x128x8x128xf32, #tpu.memory_space<hbm>> -> memref<1x4x1x8x128xf32, #tpu.memory_space<hbm>>
    %dma_wait3A_217 = tpu.memref_squeeze %dma_wait3A_216 : memref<1x4x1x8x128xf32, #tpu.memory_space<hbm>> -> memref<4x8x128xf32, #tpu.memory_space<hbm>>
    %dma_wait3A_218 = arith.constant 0 : i32
    %dma_wait3A_219 = arith.constant 0 : i32
    %dma_wait3A_220 = arith.constant 0 : i32
    %dma_wait3A_221 = tpu.memref_slice %arg10[%dma_wait3A_201, %dma_wait3A_218, %dma_wait3A_219, %dma_wait3A_220] : memref<4x4x8x128xf32, #tpu.memory_space<vmem>> -> memref<1x4x8x128xf32, #tpu.memory_space<vmem>>
    %dma_wait3A_222 = tpu.memref_squeeze %dma_wait3A_221 : memref<1x4x8x128xf32, #tpu.memory_space<vmem>> -> memref<4x8x128xf32, #tpu.memory_space<vmem>>
    tpu.wait_dma2 semaphore(%arg14 : memref<!tpu.dma_semaphore, #tpu.memory_space<semaphore_mem>>) src(%dma_wait3A_222 : memref<4x8x128xf32, #tpu.memory_space<vmem>>) dst(%dma_wait3A_217 : memref<4x8x128xf32, #tpu.memory_space<hbm>>)
    return
  }
}

module attributes {stable_mosaic.version = 14 : i64} {
  func.func @_tc_body(%arg0: i32, %arg1: memref<32x4096xf32, #tpu.memory_space<vmem>>, %arg2: memref<32x4096xf32, #tpu.memory_space<vmem>>, %arg3: memref<32x4096xf32, #tpu.memory_space<vmem>>, %arg4: memref<32x4096xf32, #tpu.memory_space<vmem>>, %arg5: memref<4096x128xf32, #tpu.memory_space<vmem>>) attributes {dimension_semantics = [#tpu.dimension_semantics<arbitrary>], iteration_bounds = array<i64: 62>, scalar_prefetch = 0 : i64, scratch_operands = 0 : i64, tpu.core_type = #tpu.core_type<tc>, window_params = [{transform_indices = @transform_0, window_bounds = array<i64: 32, 4096>}, {transform_indices = @transform_1, window_bounds = array<i64: 32, 4096>}, {transform_indices = @transform_2, window_bounds = array<i64: 32, 4096>}, {transform_indices = @transform_3, window_bounds = array<i64: 32, 4096>}, {transform_indices = @transform_4, window_bounds = array<i64: 4096, 128>}]} {
    %get3A = arith.constant 0 : index
    %get3A_0 = arith.constant 0 : index
    %get3A_1 = vector.load %arg1[%get3A, %get3A_0] : memref<32x4096xf32, #tpu.memory_space<vmem>>, vector<32x4096xf32>
    %transpose3A = tpu.transpose %get3A_1, [1, 0] : vector<32x4096xf32> -> vector<4096x32xf32>
    %get3A_2 = arith.constant 0 : index
    %get3A_3 = arith.constant 0 : index
    %get3A_4 = vector.load %arg2[%get3A_2, %get3A_3] : memref<32x4096xf32, #tpu.memory_space<vmem>>, vector<32x4096xf32>
    %transpose3A_5 = tpu.transpose %get3A_4, [1, 0] : vector<32x4096xf32> -> vector<4096x32xf32>
    %get3A_6 = arith.constant 0 : index
    %get3A_7 = arith.constant 0 : index
    %get3A_8 = vector.load %arg3[%get3A_6, %get3A_7] : memref<32x4096xf32, #tpu.memory_space<vmem>>, vector<32x4096xf32>
    %transpose3A_9 = tpu.transpose %get3A_8, [1, 0] : vector<32x4096xf32> -> vector<4096x32xf32>
    %get3A_10 = arith.constant 0 : index
    %get3A_11 = arith.constant 0 : index
    %get3A_12 = vector.load %arg4[%get3A_10, %get3A_11] : memref<32x4096xf32, #tpu.memory_space<vmem>>, vector<32x4096xf32>
    %transpose3A_13 = tpu.transpose %get3A_12, [1, 0] : vector<32x4096xf32> -> vector<4096x32xf32>
    %concatenate3A = tpu.concatenate %transpose3A, %transpose3A_5, %transpose3A_9, %transpose3A_13 in 1 : vector<4096x32xf32>, vector<4096x32xf32>, vector<4096x32xf32>, vector<4096x32xf32> -> vector<4096x128xf32>
    %swap3A = arith.constant 0 : index
    %swap3A_14 = arith.constant 0 : index
    %swap3A_15 = vector.load %arg5[%swap3A, %swap3A_14] : memref<4096x128xf32, #tpu.memory_space<vmem>>, vector<4096x128xf32>
    tpu.vector_store %arg5[%swap3A, %swap3A_14], %concatenate3A {strides = array<i32>} : memref<4096x128xf32, #tpu.memory_space<vmem>>, vector<4096x128xf32>,
    return
  }
  func.func @transform_0(%arg0: i32) -> (i32, i32) {
    %add3A = arith.constant 0 : i32
    %add3A_0 = arith.addi %add3A, %arg0 : i32
    %min3A = arith.constant 244 : i32
    %min3A_1 = arith.minsi %add3A_0, %min3A : i32
    %c0_i32 = arith.constant 0 : i32
    %c0_i32_2 = arith.constant 0 : i32
    return %c0_i32, %min3A_1 : i32, i32
  }
  func.func @transform_1(%arg0: i32) -> (i32, i32) {
    %add3A = arith.constant 62 : i32
    %add3A_0 = arith.addi %add3A, %arg0 : i32
    %min3A = arith.constant 244 : i32
    %min3A_1 = arith.minsi %add3A_0, %min3A : i32
    %c0_i32 = arith.constant 0 : i32
    %c0_i32_2 = arith.constant 0 : i32
    return %c0_i32, %min3A_1 : i32, i32
  }
  func.func @transform_2(%arg0: i32) -> (i32, i32) {
    %add3A = arith.constant 124 : i32
    %add3A_0 = arith.addi %add3A, %arg0 : i32
    %min3A = arith.constant 244 : i32
    %min3A_1 = arith.minsi %add3A_0, %min3A : i32
    %c0_i32 = arith.constant 0 : i32
    %c0_i32_2 = arith.constant 0 : i32
    return %c0_i32, %min3A_1 : i32, i32
  }
  func.func @transform_3(%arg0: i32) -> (i32, i32) {
    %add3A = arith.constant 186 : i32
    %add3A_0 = arith.addi %add3A, %arg0 : i32
    %min3A = arith.constant 244 : i32
    %min3A_1 = arith.minsi %add3A_0, %min3A : i32
    %c0_i32 = arith.constant 0 : i32
    %c0_i32_2 = arith.constant 0 : i32
    return %c0_i32, %min3A_1 : i32, i32
  }
  func.func @transform_4(%arg0: i32) -> (i32, i32) {
    %c0_i32 = arith.constant 0 : i32
    %c0_i32_0 = arith.constant 0 : i32
    return %arg0, %c0_i32 : i32, i32
  }
}

</mosaic_0001>

<sc_bundles>
// kernel: kernel.4.cloned.1.call-start
scs
__scs_entry_jumppad:
0x0: {  	(pc) =	sbr.rel $0x88, $3  }
0x1: {  	(tag) =	ssettag $0x0;
	lr =	simm.s32 $0x1  }
0x2: {  	[smem:$0x3F9F] =	sst lr;
	_ =	strace $0xD0000000  }
0x3: {  	_ = 	snop  }
0x4: {  	_ = 	snop  }
0x5: {  	_ = 	snop  }
0x6: {  	_ = 	snop  }
0x7: {  	_ = 	snop  }
__scs_overlays_trampoline_lowered:
0x8: {  	[smem:$0x3FAE] =	sst s0  }
0x9: {  	[smem:$0x3FAF] =	sst s1  }
0xa: {  	[smem:$0x3FB0] =	sst s2  }
0xb: {  	[smem:$0x3FB1] =	sst s3  }
0xc: {  	[smem:$0x3FB2] =	sst s4  }
0xd: {  	[smem:$0x3FB3] =	sst s5  }
0xe: {  	[smem:$0x3FB4] =	sst s6  }
0xf: {  	[smem:$0x3FB5] =	sst s7  }
0x10: {  	[smem:$0x3FB6] =	sst s8  }
0x11: {  	[smem:$0x3FB7] =	sst s9;
	s0 =	simm.s32 @!p0 $0x0  }
0x12: {  	s1 =	sld [smem:$0x3F9D];
	s0 =	simm.s32 @p0 $0x1  }
0x13: {  	[smem:$0x3FB8] =	sst s0;
	s0 =	simm.s32 @!p1 $0x0  }
0x14: {  	s2 =	sld [smem:$0x3F9C];
	s0 =	simm.s32 @p1 $0x1  }
0x15: {  	[smem:$0x3FB9] =	sst s0;
	s0 =	simm.s32 @!p2 $0x0  }
0x16: {  	s3 =	sld [smem:$0x3FDB];
	s0 =	simm.s32 @p2 $0x1  }
0x17: {  	s4 =	simm.s32 $0x1BF5;
	[smem:$0x3FBB] =	sst s0  }
0x18: {  	s0 =	sld [smem:$0x3F9E];
	_ =	swait.ge [sflag:s4], $0x0  }
0x19: {  	s7 =	sld [smem:$0x3F9F]  }
0x1a: {  	s8 =	sadd.s32 $0xFFFFE003, lr  }
0x1b: {  	s9 =	sadd.s32 $0xFFFFFEF7, lr;
	s5 =	simm.s32 $0xFFFFFFFF;
	p2 =	slt.u32 s8, $0xFFFFF086  }
0x1c: {  	p1 =	slt.u32 s9, $0xF7A;
	s5 =	simm.s32 @!p2 $0x0  }
0x1d: {  	s5 =	simm.s32 @p1 $0x1;
	p0 =	seq.s32 s7, s2  }
0x1e: {  	s7 =	smul.u32 @!p0 $0xF7A, s2;
	p2 =	seq.s32 @!p0 s5, $0x0  }
0x1f: {  	s9 =	smul.u32 $0xF7A, s1;
	s8 =	simm.s32 @!p0 $0x1BF5;
	p2 =	por !p2, p0  }
0x20: {  	[sflag:s8] =	ssyncset.s32 @!p0 $0xFFFFF086;
	s6 =	sadd.s32 @!p0 s3, s7;
	s7 =	simm.s32 @!p0 $0x108  }
0x21: {  	s3 =	sadd.s32 s3, s9;
	s6 =	sadd.s32 @!p0 $0x88, s6;
	s7 =	simm.s32 @p2 $0x1082  }
0x22: {  	[simem:s7], [sflag:s8] =	dma.local @!p0 [hbm:s6], $0xF7A  }
0x23: {  	s9 =	sor.u32 $0xD0000000, s2;
	s6 =	simm.s32 $0x108;
	_ =	swait.ge @!p0 [sflag:s8], $0x0  }
0x24: {  	s3 =	sadd.s32 $0x88, s3;
	s6 =	simm.s32 @!p1 $0x1082;
	[sflag:s4] =	ssyncset.s32 $0xFFFFF086  }
0x25: {  	[simem:s6], [sflag:s4] =	dma.local [hbm:s3], $0xF7A  }
0x26: {  	[smem:$0x3F9F] =	sst s1;
	(tag) =	ssettag s2;
	_ =	strace s9  }
0x27: {  	s1 =	sld [smem:$0x3FAF]  }
0x28: {  	s2 =	sld [smem:$0x3FB0]  }
0x29: {  	s4 =	sld [smem:$0x3FB2]  }
0x2a: {  	p0 =	seq.s32 s5, $0x0;
	s5 =	sld [smem:$0x3FB3]  }
0x2b: {  	s6 =	sld [smem:$0x3FB4]  }
0x2c: {  	s7 =	sld [smem:$0x3FB5]  }
0x2d: {  	s3 =	simm.s32 $0x108;
	s8 =	sld [smem:$0x3FB6]  }
0x2e: {  	s3 =	simm.s32 @!p0 $0x1082;
	s9 =	sld [smem:$0x3FB7]  }
0x2f: {  	lr =	sadd.s32 s0, s3;
	s0 =	sld [smem:$0x3FAE]  }
0x30: {  	s3 =	sld [smem:$0x3FB1]  }
0x31: {  	[smem:$0x3FBA] =	sst s10  }
0x32: {  	s10 =	sld [smem:$0x3FB8];
	_ =	sdelay $0x3  }
0x33: {  	p0 =	seq.s32 s10, $0x1;
	s10 =	sld [smem:$0x3FBA];
	_ =	sdelay $0x3  }
0x34: {  	[smem:$0x3FBA] =	sst s10  }
0x35: {  	s10 =	sld [smem:$0x3FB9];
	_ =	sdelay $0x3  }
0x36: {  	p1 =	seq.s32 s10, $0x1;
	s10 =	sld [smem:$0x3FBA];
	_ =	sdelay $0x3  }
0x37: {  	[smem:$0x3FBA] =	sst s10  }
0x38: {  	s10 =	sld [smem:$0x3FBB]  }
0x39: {  	_ = 	snop;
	(pc) =	sbr.ind lr, $3  }
0x3a: {  	_ = 	snop  }
0x3b: {  	_ = 	snop  }
0x3c: {  	p2 =	seq.s32 s10, $0x1;
	s10 =	sld [smem:$0x3FBA]  }
0x3d: {  	_ =	shalt  }
0x3e: {  	_ =	shalt  }
0x3f: {  	_ =	shalt  }
0x40: {  	_ =	shalt  }
0x41: {  	_ =	shalt  }
0x42: {  	_ =	shalt  }
0x43: {  	_ =	shalt  }
0x44: {  	_ =	shalt  }
0x45: {  	_ =	shalt  }
0x46: {  	_ =	shalt  }
0x47: {  	_ =	shalt  }
0x48: {  	_ =	shalt  }
0x49: {  	_ =	shalt  }
0x4a: {  	_ =	shalt  }
0x4b: {  	_ =	shalt  }
0x4c: {  	_ =	shalt  }
0x4d: {  	_ =	shalt  }
0x4e: {  	_ =	shalt  }
0x4f: {  	_ =	shalt  }
0x50: {  	_ =	shalt  }
0x51: {  	_ =	shalt  }
0x52: {  	_ =	shalt  }
0x53: {  	_ =	shalt  }
0x54: {  	_ =	shalt  }
0x55: {  	_ =	shalt  }
0x56: {  	_ =	shalt  }
0x57: {  	_ =	shalt  }
0x58: {  	_ =	shalt  }
0x59: {  	_ =	shalt  }
0x5a: {  	_ =	shalt  }
0x5b: {  	_ =	shalt  }
0x5c: {  	_ =	shalt  }
0x5d: {  	_ =	shalt  }
0x5e: {  	_ =	shalt  }
0x5f: {  	_ =	shalt  }
0x60: {  	_ =	shalt  }
0x61: {  	_ =	shalt  }
0x62: {  	_ =	shalt  }
0x63: {  	_ =	shalt  }
0x64: {  	_ =	shalt  }
0x65: {  	_ =	shalt  }
0x66: {  	_ =	shalt  }
0x67: {  	_ =	shalt  }
0x68: {  	_ =	shalt  }
0x69: {  	_ =	shalt  }
0x6a: {  	_ =	shalt  }
0x6b: {  	_ =	shalt  }
0x6c: {  	_ =	shalt  }
0x6d: {  	_ =	shalt  }
0x6e: {  	_ =	shalt  }
0x6f: {  	_ =	shalt  }
0x70: {  	_ =	shalt  }
0x71: {  	_ =	shalt  }
0x72: {  	_ =	shalt  }
0x73: {  	_ =	shalt  }
0x74: {  	_ =	shalt  }
0x75: {  	_ =	shalt  }
0x76: {  	_ =	shalt  }
0x77: {  	_ =	shalt  }
0x78: {  	_ =	shalt  }
0x79: {  	_ =	shalt  }
0x7a: {  	_ =	shalt  }
0x7b: {  	_ =	shalt  }
0x7c: {  	_ =	shalt  }
0x7d: {  	_ =	shalt  }
0x7e: {  	_ =	shalt  }
0x7f: {  	_ =	shalt  }
0x80: {  	_ =	shalt  }
0x81: {  	_ =	shalt  }
0x82: {  	_ =	shalt  }
0x83: {  	_ =	shalt  }
0x84: {  	_ =	shalt  }
0x85: {  	_ =	shalt  }
0x86: {  	_ =	shalt  }
0x87: {  	_ =	shalt  }
.Lfunc_end0:
.L_simem_size_0:
called_computation_lowered:
.L_overlay_start_0:
0x88: {  	s2 =	sld [smem:$0x3FD9]  }
0x89: {  	s3 =	sld [smem:$0x3FFE];
	_ =	sdelay $0x1  }
0x8a: {  	s1 =	srdreg.scid  }
0x8b: {  	s0 =	sand.u32 $0x1, s1  }
0x8c: {  	s17 =	sshll.u32 s0, $0xA;
	s2 =	sadd.s32 s3, s2  }
0x8d: {  	s2 =	sadd.s32 s2, s17  }
0x8e: {  	[smem:$0x3FC6] =	sst s2  }
0x8f: {  	_ = 	snop  }
0x90: {  	s2 =	sld [smem:$0x3FD0];
	(tm) =	ssettm $0x1  }
0x91: {  	s18 =	sld [smem:$0x3FFB];
	_ =	sdelay $0x3  }
0x92: {  	_ =	strace s18  }
0x93: {  	s3 =	sld [smem:$0x3FFC];
	_ =	sdelay $0x3  }
0x94: {  	_ =	strace s3  }
0x95: {  	s3 =	sld [smem:$0x3FFD];
	_ =	sdelay $0x3  }
0x96: {  	_ =	strace s3  }
0x97: {  	_ =	strace $0x8FFFFFFF  }
0x98: {  	s19 =	sld [smem:$0x3FDB];
	_ =	sdelay $0x1  }
0x99: {  	s4 =	simm.s32 $_scs_section_size  }
0x9a: {  	s5 =	simm.s32 $_size__tile_overlayer_lowered;
	s6 =	simm.s32 $_tile_overlayer_lowered  }
0x9b: {  	s22 =	simm.s32 $0x1BFF;
	s21 =	sshll.u32 s6, $0x1;
	s3 =	sadd.s32 s4, s19  }
0x9c: {  	s7 =	simm.s32 $0x0;
	s20 =	sshll.u32 s5, $0x1;
	s5 =	sadd.s32 s21, s3  }
0x9d: {  	[timem:s7], [sflag:s22] =	dma.local [hbm:s5], s20  }
0x9e: {  	_ =	swait.ge [sflag:s22], s20  }
0x9f: {  	s4 =	ssub.s32 $0x0, s20;
	[sflag:s22] =	ssyncset.done $0x0  }
0xa0: {  	[sflag:s22] =	ssyncadd.s32 s4;
	_ =	sdelay $0x1  }
0xa1: {  	s23 =	simm.s32 $0x1B8B  }
0xa2: {  	_ =	swait.ge [sflag:s23], $0x1  }
0xa3: {  	[sflag:s23] =	ssyncset.done $0x0  }
0xa4: {  	s25 =	simm.s32 $0x1B8E;
	s24 =	sld [smem:$0x3FFE];
	[sflag:s23] =	ssyncadd.s32 $0xFFFFFFFF  }
0xa5: {  	s26 =	simm.s32 $execute0_lowered;
	[smem:$0x3FD2] =	sst s25  }
0xa6: {  	s5 =	sshll.u32 s26, $0x1;
	_ =	strace $0x80000046;
	[dreg:$0x1] =	wrdreg $0xFFFFFFFF  }
0xa7: {  	s28 =	simm.s32 $_size_execute0_lowered;
	s3 =	sadd.s32 s3, s5;
	[dreg:$0x0] =	wrdreg $0x0  }
0xa8: {  	s5 =	sshll.u32 s28, $0x1;
	[dreg:$0x2] =	wrdreg s3  }
0xa9: {  	[dreg:$0x3] =	wrdreg s5  }
0xaa: {  	[dreg:$0x4] =	wrdreg $0xC0  }
0xab: {  	_ =	task [dreg:s7], $0x5FFFF  }
0xac: {  	[dreg:$0x1] =	wrdreg $0xFFFFFFFF  }
0xad: {  	[dreg:$0x0] =	wrdreg $0x60  }
0xae: {  	[dreg:$0x2] =	wrdreg s24  }
0xaf: {  	[dreg:$0x3] =	wrdreg s2  }
0xb0: {  	[dreg:$0x4] =	wrdreg $0x9  }
0xb1: {  	_ =	task.clear_ibuf [dreg:s7], $0x5FFFF;
	_ =	strace $0x90000046  }
0xb2: {  	s29 =	simm.s32 $0x9;
	_ =	strace $0x80000048  }
0xb3: {  	_ =	swait.ge [sflag:s29], $0x1  }
0xb4: {  	[sflag:s29] =	ssyncadd.s32 $0xFFFFFFFF  }
0xb5: {  	_ =	strace $0x90000048  }
0xb6: {  	_ =	sfence  }
0xb7: {  	s30 =	sld [smem:$0x0];
	_ =	sdelay $0x2  }
0xb8: {  	s31 =	sshll.u32 s1, $0xD;
	s1 =	sshrl.u32 s1, $0x2  }
0xb9: {  	s3 =	sand.u32 $0x4000, s31;
	s1 =	sadd.s32 s1, s30  }
0xba: {  	s0 =	sor.u32 s3, s0;
	s1 =	sshll.u32 s1, $0x11  }
0xbb: {  	s0 =	sor.u32 s1, s0  }
0xbc: {  	s0 =	sadd.s32 $0x8F2B, s0  }
0xbd: {  	[sflag:s0] =	ssyncadd.remote.s32 $0x1  }
0xbe: {  	_ =	sfence.sel $0xFFFF  }
0xbf: {  	[dreg:$0x0] =	wrdreg $0xFFFFFFFF;
	(pc) =	sbr.abs _section_cstart, $3  }
0xc0: {  	[dreg:$0x1] =	wrdreg $0xFFFFFFFF  }
0xc1: {  	_ =	task.clear_ibuf [dreg:s7], $0x2FFFF;
	_ =	strace $0x9FFFFFFF  }
0xc2: {  	(tm) =	ssettm $0x7FFFFFFF  }
0xc3: {  	_ =	shalt  }
tec
execute0_lowered:
.L_overlay_start_1:
0x0: {  	(tag) =	ssettag $0x1  }
0x1: {  	s0 =	rddreg [dreg:$0x0]  }
0x2: {  	s1 =	srdreg.scid;
	s3 =	stileid.u32  }
0x3: {  	s2 =	rddreg [dreg:$0x1];
	s4 =	simm.s32 $0x0;
	s14 =	simm.s32 $0x5000  }
0x4: {  	s15 =	simm.s32 $0x9000;
	s1 =	sand.u32 $0x1, s1;
	s3 =	sshll.u32 s3, $0x1  }
0x5: {  	[smem:$0x7FF] =	sst s4;
	s5 =	sadd.s32 $0xA400, s0;
	s3 =	sor.u32 s1, s3  }
0x6: {  	_ =	strace $0x80000047;
	s1 =	ssub.s32 $0x2, s1;
	s9 =	sshll.u32 s3, $0xC  }
0x7: {  	[dreg:$0x3] =	wrdreg s5;
	s25 =	smul.u32 $0x500, s3;
	s28 =	sor.u32 $0x400, s9  }
0x8: {  	s26 =	sshrl.u32 s1, $0x1;
	s29 =	sor.u32 $0x800, s9;
	[dreg:$0x5] =	wrdreg s28  }
0x9: {  	s1 =	ssub.s32 s1, s26;
	s30 =	sor.u32 $0xC00, s9;
	[dreg:$0x6] =	wrdreg s29  }
0xa: {  	s0 =	sadd.s32 s25, s0;
	[dreg:$0x7] =	wrdreg s30;
	s31 =	smax.u32 s1, $0x1  }
0xb: {  	s17 =	simm.s32 $0x400;
	v0 =	vimm.s32 $0x0;
	v1 =	vlaneseq.u32;
	vm0 =	vcmask $0x300;
	s0 =	sadd.s32 $0x400, s0;
	[dreg:$0x8] =	wrdreg s31  }
0xc: {  	s18 =	simm.s32 $0x20000;
	v1 =	vmul.u32 $0x20, v1;
	v2 =	vsel vm0, $0x3, v0;
	s3 =	simm.s32 $0x0;
	[dreg:$0x4] =	wrdreg s0  }
.LBB2_1:
0xd: {  	[dreg:$0x9] =	wrdreg s3  }
0xe: {  	s0 =	simm.s32 $0x0;
	s1 =	rddreg [dreg:$0x4];
	s31 =	simm.s32 $0x5  }
0xf: {  	[tilespmem:s0], [sflag:$0x5] =	stream.linear.gather [hbm4b:s1+s0], $0x2800, $0x38;
	[tilespmem:$0x15000] =	vst v63  }
0x10: {  	_ =	swait.ge [sflag:s31], $0x2800  }
0x11: {  	[sflag:s31] =	ssyncset.done $0x0  }
0x12: {  	s0 =	simm.s32 $0x0;
	[sflag:s31] =	ssyncadd.s32 $0xFFFFD800  }
0x13: {  	v5 =	vld [tilespmem:s0+$0x0];
	_ =	sdelay $0x4  }
0x14: {  	vm0 =	vgt.s32 v5, $0x3DFFF;
	vm1 =	vgt.s32 v5, $0x7BFFF  }
0x15: {  	vm15 =	vgt.s32 v5, $0xB9FFF;
	v3 =	vsel vm0, $0x1, v0;
	v4 =	vsel vm1, $0x1, v0  }
0x16: {  	s1 =	simm.s32 $0x10;
	v3 =	vadd.s32 v4, v3;
	v4 =	vsel vm15, $0x1, v0  }
0x17: {  	v4 =	vadd.s32 v4, v3;
	v3 =	vld [tilespmem:s1+$0x0];
	_ =	sdelay $0x2  }
0x18: {  	v4 =	vmul.u32 $0xFFF08001, v4  }
0x19: {  	s3 =	simm.s32 $0x80;
	v5 =	vshll.u32 v5, $0x2  }
.LBB2_2:
0x1a: {  	s4 =	sshra.s32 s3, $0x2;
	p0 =	sne.s32 s3, $0x9FC0;
	s3 =	sadd.s32 $0x40, s3;
	vm0 =	vgt.s32 v3, $0x3DFFF;
	vm1 =	vgt.s32 v3, $0x7BFFF;
	v4 =	vadd.s32 v5, v4;
	v5 =	vmovc v3  }
.Ltmp0:
0x1b: {  	v3 =	vld [tilespmem:s4+$0x0];
	v6 =	vsel vm0, $0x1, v0;
	v7 =	vsel vm1, $0x1, v0;
	vm0 =	vgt.s32 v5, $0xB9FFF;
	[tilespmem:s0+$0x2800] =	vst v4;
	s0 =	smov.u32 s1;
	s1 =	smov.u32 s4;
	(pc) =	sbr.rel @p0 .LBB2_2-.Ltmp0, $4  }
0x1c: {  	v4 =	vadd.s32 v7, v6;
	v6 =	vsel vm0, $0x1, v0  }
0x1d: {  	v4 =	vadd.s32 v6, v4  }
0x1e: {  	v4 =	vmul.u32 $0xFFF08001, v4  }
0x1f: {  	v5 =	vshll.u32 v5, $0x2  }
0x20: {  	vm0 =	vgt.s32 v3, $0x3DFFF;
	vm1 =	vgt.s32 v3, $0x7BFFF  }
0x21: {  	vm15 =	vgt.s32 v3, $0xB9FFF;
	v6 =	vsel vm0, $0x1, v0;
	v7 =	vsel vm1, $0x1, v0  }
0x22: {  	v63 =	vsel vm15, $0x1, v0;
	v6 =	vadd.s32 v7, v6  }
0x23: {  	v6 =	vadd.s32 v63, v6  }
0x24: {  	v6 =	vmul.u32 $0xFFF08001, v6  }
0x25: {  	v4 =	vadd.s32 v5, v4;
	v3 =	vshll.u32 v3, $0x2  }
0x26: {  	s30 =	rddreg [dreg:$0x3];
	[tilespmem:s0+$0x2800] =	vst v4;
	v3 =	vadd.s32 v3, v6  }
0x27: {  	s31 =	simm.s32 $0x200;
	s3 =	simm.s32 $0x2800;
	s0 =	simm.s32 $0x0;
	[tilespmem:s1+$0x2800] =	vst v3  }
0x28: {  	[tilespmem:s14], [sflag:$0x1] =	stream.indirect.gather [hbm4b:s30+s31], $0x20, s3, s31, $0xb8;
	[tilespmem:$0x15000] =	vst v63  }
.LBB2_4:
0x29: {  	p0 =	seq.s32 s0, $0x0  }
0x2a: {  	s3 =	simm.s32 $0x0;
	s7 =	simm.s32 $0x0;
	s16 =	simm.s32 @!p0 $0x3  }
0x2b: {  	s5 =	sand.u32 $0x10, s3;
	s13 =	sand.u32 $0x1F0, s7;
	_ =	swait.ge @!p0 [sflag:s16], $0x1000  }
0x2c: {  	s19 =	sor.u32 $0x9, s5;
	v4 =	vmov s5;
	s10 =	sor.u32 $0xA, s5;
	s4 =	sor.u32 $0xF, s5;
	v11 =	vmov s13  }
0x2d: {  	s20 =	sor.u32 $0xB, s5;
	s21 =	sor.u32 $0xC, s5;
	s11 =	sor.u32 $0xD, s5;
	v3 =	vmov s19;
	v5 =	vmov s10;
	v6 =	vmov s4  }
0x2e: {  	s12 =	sor.u32 $0xE, s5;
	[sflag:s16] =	ssyncset.done @!p0 $0x0;
	v7 =	vmov s20;
	v8 =	vmov s21;
	v9 =	vmov s11  }
0x2f: {  	v10 =	vmov s12;
	v4 =	vshrl.u32 v4, $0x3;
	[sflag:s16] =	ssyncadd.s32 @!p0 $0xFFFFF000;
	v6 =	vshrl.u32 v6, $0x3  }
0x30: {  	s8 =	sshll.u32 s0, $0x1;
	s6 =	simm.s32 $0x200;
	v12 =	vshrl.u32 v3, $0x3;
	v5 =	vshrl.u32 v5, $0x3;
	v4 =	vshll.u32 v4, v2;
	_ =	swait.ge @!p0 [sflag:s16], $0x1000  }
0x31: {  	s25 =	simm.s32 $0x1;
	s29 =	simm.s32 $0x0;
	v6 =	vshll.u32 v6, v2;
	v12 =	vshll.u32 v12, v2;
	v5 =	vshll.u32 v5, v2;
	[sflag:s16] =	ssyncset.done @!p0 $0x0  }
0x32: {  	s1 =	sor.u32 $0x1, s8;
	s28 =	sand.u32 $0x3000, s7;
	v13 =	vor.u32 $0x1, v4;
	v14 =	vor.u32 $0x2, v4;
	v15 =	vor.u32 $0x3, v4;
	[sflag:s16] =	ssyncadd.s32 @!p0 $0xFFFFF000  }
0x33: {  	s22 =	sshll.u32 s1, $0x9;
	s24 =	sor.u32 $0x8, s5;
	v16 =	vor.u32 $0x4, v4;
	v18 =	vor.u32 $0x6, v4;
	v19 =	vor.u32 $0x7, v4;
	_ =	swait.ge @!p0 [sflag:s16], $0x1000  }
0x34: {  	s5 =	sshll.u32 s5, $0x7;
	s22 =	sand.u32 $0x3FFFFE00, s22;
	v3 =	vor.u32 $0x7, v6;
	v6 =	vshll.u32 v11, $0x5;
	v12 =	vor.u32 $0x1, v12;
	[sflag:s16] =	ssyncset.done @!p0 $0x0  }
0x35: {  	s26 =	sshll.u32 s24, $0x7;
	s19 =	sshll.u32 s19, $0x7;
	v5 =	vor.u32 $0x2, v5;
	v26 =	vbroadcast v13, $0x0;
	v13 =	vbroadcast v18, $0x0;
	[sflag:s16] =	ssyncadd.s32 @!p0 $0xFFFFF000  }
0x36: {  	s10 =	sshll.u32 s10, $0x7;
	s20 =	sshll.u32 s20, $0x7;
	v18 =	vbroadcast v19, $0x0;
	v11 =	vbroadcast v3, $0x0;
	v3 =	vor.u32 v1, v6;
	_ =	swait.ge @!p0 [sflag:s16], $0x1000  }
0x37: {  	s21 =	sshll.u32 s21, $0x7;
	v6 =	vshrl.u32 v7, $0x3;
	v7 =	vshrl.u32 v8, $0x3;
	v8 =	vshrl.u32 v9, $0x3;
	[dreg:$0xa] =	wrdreg s1;
	[sflag:s16] =	ssyncset.done @!p0 $0x0  }
0x38: {  	s22 =	sadd.s32 $0x2800, s22;
	v9 =	vshrl.u32 v10, $0x3;
	v12 =	vbroadcast v12, $0x0;
	v10 =	vor.u32 v3, v11;
	s23 =	rddreg [dreg:$0x3];
	[sflag:s16] =	ssyncadd.s32 @!p0 $0xFFFFF000  }
0x39: {  	v17 =	vor.u32 $0x5, v4;
	v20 =	vbroadcast v5, $0x0;
	v5 =	vbroadcast v14, $0x0;
	[tilespmem:s15], [sflag:$0x2] =	stream.indirect.gather [hbm4b:s23+s6], $0x20, s22, s6, $0xb8;
	[tilespmem:$0x15000] =	vst v63  }
0x3a: {  	s11 =	sshll.u32 s11, $0x7;
	s12 =	sshll.u32 s12, $0x7;
	v14 =	vbroadcast v17, $0x0;
	v6 =	vshll.u32 v6, v2;
	v7 =	vshll.u32 v7, v2;
	_ =	swait.ge [sflag:s25], $0x4000  }
0x3b: {  	s4 =	sshll.u32 s4, $0x7;
	v8 =	vshll.u32 v8, v2;
	v9 =	vshll.u32 v9, v2;
	v11 =	vmov s24;
	s22 =	sadd.s32 $0xD000, s28;
	[sflag:s25] =	ssyncset.done $0x0  }
0x3c: {  	v6 =	vor.u32 $0x3, v6;
	v7 =	vor.u32 $0x4, v7;
	v11 =	vshrl.u32 v11, $0x3;
	s16 =	sor.u32 s26, s22;
	s4 =	sor.u32 s4, s22;
	[sflag:s25] =	ssyncadd.s32 $0xFFFFC000  }
0x3d: {  	v23 =	vor.u32 v3, v12;
	v21 =	vshll.u32 v11, v2;
	v11 =	vbroadcast v6, $0x0;
	s19 =	sor.u32 s19, s22;
	s10 =	sor.u32 s10, s22;
	s20 =	sor.u32 s20, s22;
	v22 =	vld.idx.msk [tilespmem:v10+s14+$0x0], $0xffff  }
0x3e: {  	v8 =	vor.u32 $0x5, v8;
	v7 =	vbroadcast v7, $0x0;
	v6 =	vor.u32 v3, v20;
	s26 =	sor.u32 s21, s22;
	s11 =	sor.u32 s11, s22;
	s25 =	sand.u32 $0x70, s7  }
0x3f: {  	v9 =	vor.u32 $0x6, v9;
	v24 =	vbroadcast v8, $0x0;
	v8 =	vor.u32 v3, v11;
	s28 =	sor.u32 s5, s22;
	s12 =	sor.u32 s12, s22;
	s4 =	sor.u32 s25, s4  }
0x40: {  	v25 =	vbroadcast v9, $0x0;
	v9 =	vbroadcast v16, $0x0;
	v11 =	vor.u32 v3, v7;
	s5 =	sor.u32 s25, s16;
	s24 =	sor.u32 s25, s19;
	s21 =	sor.u32 s25, s10  }
0x41: {  	v16 =	vbroadcast v4, $0x0;
	v10 =	vbroadcast v15, $0x0;
	s19 =	sor.u32 s25, s20;
	s20 =	sor.u32 s25, s26;
	s31 =	sor.u32 s25, s11;
	v15 =	vor.u32 v3, v24  }
0x42: {  	v4 =	vor.u32 v3, v26;
	v12 =	vbroadcast v21, $0x0;
	v17 =	vor.u32 v3, v25;
	s30 =	sor.u32 s25, s12;
	s10 =	sor.u32 s25, s28;
	v7 =	vld.idx.msk [tilespmem:v23+s14+$0x0], $0xffff;
	s11 =	simm.s32 $0x0;
	[tilespmem:s4+$0x0] =	vst v22  }
.LBB2_5:
0x43: {  	s3 =	sadd.s32 $0x10, s3;
	v5 =	vor.u32 v3, v5;
	v10 =	vor.u32 v3, v10;
	v9 =	vor.u32 v3, v9;
	v6 =	vld.idx.msk [tilespmem:v6+s14+$0x0], $0xffff  }
0x44: {  	v14 =	vor.u32 v3, v14;
	v13 =	vor.u32 v3, v13;
	v18 =	vor.u32 v3, v18;
	s4 =	sand.u32 $0x10, s3;
	p1 =	slt.u32 s3, $0x3F0;
	v8 =	vld.idx.msk [tilespmem:v8+s14+$0x0], $0xffff  }
0x45: {  	v12 =	vor.u32 v12, v3;
	v16 =	vor.u32 v16, v3;
	v19 =	vmov s4;
	s16 =	sor.u32 $0x9, s4;
	s26 =	sor.u32 $0xA, s4;
	s22 =	sor.u32 $0xF, s4;
	v11 =	vld.idx.msk [tilespmem:v11+s14+$0x0], $0xffff  }
0x46: {  	s28 =	sor.u32 $0xB, s4;
	s23 =	sor.u32 $0xC, s4;
	s1 =	sor.u32 $0xD, s4;
	v3 =	vmov s16;
	v20 =	vmov s26;
	v21 =	vmov s22;
	v15 =	vld.idx.msk [tilespmem:v15+s14+$0x0], $0xffff  }
0x47: {  	s11 =	sadd.s32 $0x8, s11;
	s7 =	sor.u32 $0x8, s4;
	s6 =	sor.u32 $0xE, s4;
	v22 =	vmov s28;
	v23 =	vmov s23;
	v21 =	vshrl.u32 v21, $0x3;
	v17 =	vld.idx.msk [tilespmem:v17+s14+$0x0], $0xffff  }
0x48: {  	s8 =	sand.u32 $0x1F0, s11;
	s12 =	sshll.u32 s7, $0x7;
	s25 =	sshll.u32 s16, $0x7;
	v24 =	vmov s1;
	v25 =	vmov s6;
	v21 =	vshll.u32 v21, v2;
	v4 =	vld.idx.msk [tilespmem:v4+s14+$0x0], $0xffff;
	[tilespmem:s24+$0x0] =	vst v7  }
0x49: {  	s16 =	sshll.u32 s26, $0x7;
	s26 =	sshll.u32 s28, $0x7;
	s28 =	sshll.u32 s23, $0x7;
	v26 =	vshrl.u32 v3, $0x3;
	v7 =	vmov s8;
	v3 =	vor.u32 $0x7, v21;
	v5 =	vld.idx.msk [tilespmem:v5+s14+$0x0], $0xffff;
	[tilespmem:s21+$0x0] =	vst v6  }
0x4a: {  	s24 =	sshll.u32 s4, $0x7;
	s4 =	sshll.u32 s1, $0x7;
	v6 =	vshll.u32 v7, $0x5;
	v7 =	vshrl.u32 v20, $0x3;
	s21 =	sshll.u32 s6, $0x7;
	v20 =	vbroadcast v3, $0x0;
	v10 =	vld.idx.msk [tilespmem:v10+s14+$0x0], $0xffff;
	[tilespmem:s19+$0x0] =	vst v8  }
0x4b: {  	v3 =	vor.u32 v1, v6;
	v6 =	vshrl.u32 v22, $0x3;
	v8 =	vshrl.u32 v23, $0x3;
	v9 =	vld.idx.msk [tilespmem:v9+s14+$0x0], $0xffff;
	[tilespmem:s20+$0x0] =	vst v11  }
0x4c: {  	v21 =	vshrl.u32 v25, $0x3;
	v11 =	vshrl.u32 v24, $0x3;
	v20 =	vor.u32 v3, v20;
	v14 =	vld.idx.msk [tilespmem:v14+s14+$0x0], $0xffff;
	[tilespmem:s31+$0x0] =	vst v15  }
0x4d: {  	v22 =	vshll.u32 v26, v2;
	v15 =	vshrl.u32 v19, $0x3;
	v19 =	vmov s7;
	v13 =	vld.idx.msk [tilespmem:v13+s14+$0x0], $0xffff;
	[tilespmem:s30+$0x0] =	vst v17  }
0x4e: {  	v7 =	vshll.u32 v7, v2;
	v6 =	vshll.u32 v6, v2;
	v8 =	vshll.u32 v8, v2;
	v17 =	vld.idx.msk [tilespmem:v18+s14+$0x0], $0xffff  }
0x4f: {  	v11 =	vshll.u32 v11, v2;
	v23 =	vshll.u32 v15, v2;
	v15 =	vshll.u32 v21, v2;
	v12 =	vld.idx.msk [tilespmem:v12+s14+$0x0], $0xffff  }
0x50: {  	v7 =	vor.u32 $0x2, v7;
	v18 =	vshrl.u32 v19, $0x3;
	v19 =	vor.u32 $0x1, v22;
	v16 =	vld.idx.msk [tilespmem:v16+s14+$0x0], $0xffff;
	[tilespmem:s10+$0x80] =	vst v4  }
0x51: {  	s29 =	sadd.s32 $0x100, s29;
	v4 =	vor.u32 $0x3, v6;
	v6 =	vor.u32 $0x4, v8;
	v8 =	vor.u32 $0x5, v11;
	v11 =	vld.idx.msk [tilespmem:v20+s14+$0x0], $0xffff;
	[tilespmem:s10+$0x100] =	vst v5  }
0x52: {  	s1 =	sand.u32 $0x3000, s29;
	v15 =	vor.u32 $0x6, v15;
	v5 =	vor.u32 $0x1, v23;
	v20 =	vor.u32 $0x2, v23;
	[tilespmem:s10+$0x180] =	vst v10  }
0x53: {  	s1 =	sadd.s32 $0xD000, s1;
	v21 =	vor.u32 $0x4, v23;
	v22 =	vor.u32 $0x5, v23;
	v10 =	vor.u32 $0x3, v23;
	[tilespmem:s10+$0x200] =	vst v9  }
0x54: {  	s6 =	sshll.u32 s22, $0x7;
	s8 =	sor.u32 s12, s1;
	v24 =	vor.u32 $0x6, v23;
	v25 =	vor.u32 $0x7, v23;
	v26 =	vshll.u32 v18, v2;
	[tilespmem:s10+$0x280] =	vst v14  }
0x55: {  	s6 =	sor.u32 s6, s1;
	s12 =	sor.u32 s25, s1;
	s7 =	sand.u32 $0x70, s11;
	v7 =	vbroadcast v7, $0x0;
	v9 =	vbroadcast v19, $0x0;
	[tilespmem:s10+$0x300] =	vst v13  }
0x56: {  	s16 =	sor.u32 s16, s1;
	s19 =	sor.u32 s26, s1;
	s6 =	sor.u32 s7, s6;
	v4 =	vbroadcast v4, $0x0;
	v18 =	vbroadcast v6, $0x0;
	[tilespmem:s10+$0x380] =	vst v17  }
0x57: {  	s4 =	sor.u32 s4, s1;
	s20 =	sor.u32 s28, s1;
	v27 =	vbroadcast v15, $0x0;
	v19 =	vbroadcast v8, $0x0;
	v17 =	vor.u32 v3, v9;
	[tilespmem:s6+$0x0] =	vst v11;
	s6 =	sor.u32 s24, s1  }
.Ltmp1:
0x58: {  	v6 =	vor.u32 v3, v7;
	v28 =	vbroadcast v5, $0x0;
	v5 =	vbroadcast v20, $0x0;
	s1 =	sor.u32 s21, s1;
	[tilespmem:s5+$0x0] =	vst v12;
	s5 =	sor.u32 s7, s8;
	(pc) =	sbr.rel @p1 .LBB2_5-.Ltmp1, $4  }
0x59: {  	s19 =	sor.u32 s7, s19;
	v10 =	vbroadcast v10, $0x0;
	v8 =	vor.u32 v3, v4;
	v9 =	vbroadcast v21, $0x0;
	s24 =	sor.u32 s7, s12;
	s21 =	sor.u32 s7, s16;
	[tilespmem:s10+$0x0] =	vst v16  }
0x5a: {  	s20 =	sor.u32 s7, s20;
	s31 =	sor.u32 s7, s4;
	v14 =	vbroadcast v22, $0x0;
	v13 =	vbroadcast v24, $0x0;
	v11 =	vor.u32 v3, v18;
	s30 =	sor.u32 s7, s1  }
0x5b: {  	v15 =	vor.u32 v3, v19;
	v18 =	vbroadcast v25, $0x0;
	v12 =	vbroadcast v26, $0x0;
	s10 =	sor.u32 s7, s6  }
0x5c: {  	v4 =	vor.u32 v3, v28;
	v16 =	vbroadcast v23, $0x0;
	v7 =	vld.idx.msk [tilespmem:v17+s14+$0x0], $0xffff;
	v17 =	vor.u32 v3, v27  }
0x5d: {  	_ =	sdelay $0x3  }
0x5e: {  	v6 =	vld.idx.msk [tilespmem:v6+s14+$0x0], $0xffff  }
0x5f: {  	v5 =	vor.u32 v3, v5;
	v8 =	vld.idx.msk [tilespmem:v8+s14+$0x0], $0xffff  }
0x60: {  	v10 =	vor.u32 v3, v10;
	v11 =	vld.idx.msk [tilespmem:v11+s14+$0x0], $0xffff  }
0x61: {  	v9 =	vor.u32 v3, v9;
	v15 =	vld.idx.msk [tilespmem:v15+s14+$0x0], $0xffff  }
0x62: {  	v14 =	vor.u32 v3, v14;
	v17 =	vld.idx.msk [tilespmem:v17+s14+$0x0], $0xffff;
	[tilespmem:s24+$0x0] =	vst v7  }
0x63: {  	v4 =	vld.idx.msk [tilespmem:v4+s14+$0x0], $0xffff;
	v7 =	vor.u32 v3, v13;
	[tilespmem:s21+$0x0] =	vst v6  }
0x64: {  	v6 =	vor.u32 v3, v18;
	v5 =	vld.idx.msk [tilespmem:v5+s14+$0x0], $0xffff;
	[tilespmem:s19+$0x0] =	vst v8  }
0x65: {  	v8 =	vor.u32 v12, v3;
	v10 =	vld.idx.msk [tilespmem:v10+s14+$0x0], $0xffff;
	[tilespmem:s20+$0x0] =	vst v11  }
0x66: {  	v3 =	vor.u32 v16, v3;
	v9 =	vld.idx.msk [tilespmem:v9+s14+$0x0], $0xffff;
	[tilespmem:s31+$0x0] =	vst v15  }
0x67: {  	v11 =	vld.idx.msk [tilespmem:v14+s14+$0x0], $0xffff;
	[tilespmem:s30+$0x0] =	vst v17  }
0x68: {  	[tilespmem:s10+$0x80] =	vst v4;
	v7 =	vld.idx.msk [tilespmem:v7+s14+$0x0], $0xffff  }
0x69: {  	v4 =	vld.idx.msk [tilespmem:v6+s14+$0x0], $0xffff;
	[tilespmem:s10+$0x100] =	vst v5  }
0x6a: {  	v5 =	vld.idx.msk [tilespmem:v8+s14+$0x0], $0xffff;
	[tilespmem:s10+$0x180] =	vst v10  }
0x6b: {  	v3 =	vld.idx.msk [tilespmem:v3+s14+$0x0], $0xffff;
	[tilespmem:s10+$0x200] =	vst v9  }
0x6c: {  	[tilespmem:s10+$0x280] =	vst v11  }
0x6d: {  	s1 =	sshll.u32 s0, $0x14;
	[tilespmem:s10+$0x300] =	vst v7  }
0x6e: {  	s3 =	sor.u32 s9, s1;
	[tilespmem:s10+$0x380] =	vst v4  }
0x6f: {  	s3 =	sshrl.u32 s3, $0x3;
	[tilespmem:s5+$0x0] =	vst v5  }
0x70: {  	s4 =	simm.s32 $0xD000;
	s3 =	sadd.s32 s2, s3;
	[tilespmem:s10+$0x0] =	vst v3  }
0x71: {  	[hbm4b:s3+s17] =	stream.strided.scatter [tilespmem:s4], [sflag:$0x3], $0x1000, s18, s17, $0x38;
	[tilespmem:$0x15000] =	vst v63  }
0x72: {  	s11 =	rddreg [dreg:$0x5]  }
0x73: {  	s3 =	sor.u32 s11, s1  }
0x74: {  	s3 =	sshrl.u32 s3, $0x3  }
0x75: {  	s12 =	simm.s32 $0xE000;
	s16 =	rddreg [dreg:$0x6];
	s3 =	sadd.s32 s2, s3  }
0x76: {  	[hbm4b:s3+s17] =	stream.strided.scatter [tilespmem:s12], [sflag:$0x3], $0x1000, s18, s17, $0x38;
	[tilespmem:$0x15000] =	vst v63  }
0x77: {  	s20 =	rddreg [dreg:$0x7];
	s3 =	sor.u32 s16, s1  }
0x78: {  	s1 =	sor.u32 s20, s1;
	s3 =	sshrl.u32 s3, $0x3  }
0x79: {  	s19 =	simm.s32 $0xF000;
	s1 =	sshrl.u32 s1, $0x3;
	s3 =	sadd.s32 s2, s3  }
0x7a: {  	[hbm4b:s3+s17] =	stream.strided.scatter [tilespmem:s19], [sflag:$0x3], $0x1000, s18, s17, $0x38;
	[tilespmem:$0x15000] =	vst v63  }
0x7b: {  	s21 =	simm.s32 $0x10000;
	s1 =	sadd.s32 s2, s1  }
0x7c: {  	[hbm4b:s1+s17] =	stream.strided.scatter [tilespmem:s21], [sflag:$0x3], $0x1000, s18, s17, $0x38;
	[tilespmem:$0x15000] =	vst v63  }
0x7d: {  	s1 =	simm.s32 @!p0 $0x4  }
0x7e: {  	_ =	swait.ge @!p0 [sflag:s1], $0x1000  }
0x7f: {  	[sflag:s1] =	ssyncset.done @!p0 $0x0  }
0x80: {  	[sflag:s1] =	ssyncadd.s32 @!p0 $0xFFFFF000  }
0x81: {  	_ =	swait.ge @!p0 [sflag:s1], $0x1000  }
0x82: {  	[sflag:s1] =	ssyncset.done @!p0 $0x0  }
0x83: {  	[sflag:s1] =	ssyncadd.s32 @!p0 $0xFFFFF000  }
0x84: {  	_ =	swait.ge @!p0 [sflag:s1], $0x1000  }
0x85: {  	[sflag:s1] =	ssyncset.done @!p0 $0x0  }
0x86: {  	[sflag:s1] =	ssyncadd.s32 @!p0 $0xFFFFF000  }
0x87: {  	p1 =	seq.s32 @!p0 s0, $0x9;
	_ =	swait.ge @!p0 [sflag:s1], $0x1000  }
0x88: {  	p1 =	por p0, !p1;
	[sflag:s1] =	ssyncset.done @!p0 $0x0  }
0x89: {  	[sflag:s1] =	ssyncadd.s32 @!p0 $0xFFFFF000;
	s1 =	sshll.u32 @p1 s0, $0xA  }
0x8a: {  	s1 =	sand.u32 @p1 $0x3FFFFC00, s1  }
0x8b: {  	s4 =	simm.s32 @p1 $0x200;
	s3 =	rddreg @p1 [dreg:$0x3];
	s1 =	sadd.s32 @p1 $0x2C00, s1  }
0x8c: {  	[tilespmem:s14], [sflag:$0x1] =	stream.indirect.gather @p1 [hbm4b:s3+s4], $0x20, s1, s4, $0xb8;
	[tilespmem:$0x15000] =	vst v63  }
0x8d: {  	s5 =	simm.s32 $0x0;
	s3 =	simm.s32 $0x0  }
0x8e: {  	s16 =	sand.u32 $0x1F0, s5;
	s22 =	sand.u32 $0x10, s3  }
0x8f: {  	v11 =	vmov s16;
	s6 =	sor.u32 $0x9, s22;
	v4 =	vmov s22;
	s7 =	sor.u32 $0xA, s22;
	s23 =	sor.u32 $0xF, s22  }
0x90: {  	s8 =	sor.u32 $0xB, s22;
	s24 =	sor.u32 $0xC, s22;
	s11 =	sor.u32 $0xD, s22;
	v3 =	vmov s6;
	v5 =	vmov s7;
	v6 =	vmov s23  }
0x91: {  	s12 =	sor.u32 $0xE, s22;
	v7 =	vmov s8;
	v8 =	vmov s24;
	v9 =	vmov s11  }
0x92: {  	v10 =	vmov s12;
	v4 =	vshrl.u32 v4, $0x3;
	v6 =	vshrl.u32 v6, $0x3  }
0x93: {  	v12 =	vshrl.u32 v3, $0x3;
	v5 =	vshrl.u32 v5, $0x3;
	v4 =	vshll.u32 v4, v2  }
0x94: {  	v6 =	vshll.u32 v6, v2;
	v12 =	vshll.u32 v12, v2;
	v5 =	vshll.u32 v5, v2  }
0x95: {  	v13 =	vor.u32 $0x1, v4;
	v14 =	vor.u32 $0x2, v4;
	v15 =	vor.u32 $0x3, v4  }
0x96: {  	v16 =	vor.u32 $0x4, v4;
	v18 =	vor.u32 $0x6, v4;
	v19 =	vor.u32 $0x7, v4  }
0x97: {  	v3 =	vor.u32 $0x7, v6;
	v6 =	vshll.u32 v11, $0x5;
	v12 =	vor.u32 $0x1, v12  }
0x98: {  	v5 =	vor.u32 $0x2, v5;
	v26 =	vbroadcast v13, $0x0;
	v13 =	vbroadcast v18, $0x0  }
0x99: {  	s13 =	smov.u32 s9;
	v18 =	vbroadcast v19, $0x0;
	v11 =	vbroadcast v3, $0x0;
	v3 =	vor.u32 v1, v6  }
0x9a: {  	s26 =	simm.s32 $0x2;
	s29 =	simm.s32 $0x0;
	s28 =	sand.u32 $0x3000, s5;
	v6 =	vshrl.u32 v7, $0x3;
	v7 =	vshrl.u32 v8, $0x3;
	v8 =	vshrl.u32 v9, $0x3  }
0x9b: {  	s19 =	sadd.s32 $0x11000, s28;
	_ =	swait.ge [sflag:s26], $0x4000;
	s25 =	sor.u32 $0x8, s22;
	v9 =	vshrl.u32 v10, $0x3;
	v12 =	vbroadcast v12, $0x0;
	v10 =	vor.u32 v3, v11  }
0x9c: {  	[sflag:s26] =	ssyncset.done $0x0;
	s1 =	sshll.u32 s22, $0x7;
	s22 =	sand.u32 $0x70, s5;
	v17 =	vor.u32 $0x5, v4;
	v20 =	vbroadcast v5, $0x0;
	v5 =	vbroadcast v14, $0x0  }
0x9d: {  	[sflag:s26] =	ssyncadd.s32 $0xFFFFC000;
	s16 =	sshll.u32 s25, $0x7;
	s6 =	sshll.u32 s6, $0x7;
	v14 =	vbroadcast v17, $0x0;
	v6 =	vshll.u32 v6, v2;
	v7 =	vshll.u32 v7, v2  }
0x9e: {  	s7 =	sshll.u32 s7, $0x7;
	s8 =	sshll.u32 s8, $0x7;
	s10 =	sshll.u32 s24, $0x7;
	v8 =	vshll.u32 v8, v2;
	v9 =	vshll.u32 v9, v2;
	v11 =	vmov s25  }
0x9f: {  	s11 =	sshll.u32 s11, $0x7;
	s12 =	sshll.u32 s12, $0x7;
	s4 =	sshll.u32 s23, $0x7;
	v6 =	vor.u32 $0x3, v6;
	v7 =	vor.u32 $0x4, v7;
	v11 =	vshrl.u32 v11, $0x3  }
0xa0: {  	s1 =	sor.u32 s1, s19;
	s16 =	sor.u32 s16, s19;
	s4 =	sor.u32 s4, s19;
	v23 =	vor.u32 v3, v12;
	v21 =	vshll.u32 v11, v2;
	v11 =	vbroadcast v6, $0x0;
	v22 =	vld.idx.msk [tilespmem:v10+s15+$0x0], $0xffff  }
0xa1: {  	s6 =	sor.u32 s6, s19;
	s7 =	sor.u32 s7, s19;
	s8 =	sor.u32 s8, s19;
	v8 =	vor.u32 $0x5, v8;
	v7 =	vbroadcast v7, $0x0;
	v6 =	vor.u32 v3, v20  }
0xa2: {  	s23 =	sor.u32 s10, s19;
	s11 =	sor.u32 s11, s19;
	s12 =	sor.u32 s12, s19;
	v9 =	vor.u32 $0x6, v9;
	v24 =	vbroadcast v8, $0x0;
	v8 =	vor.u32 v3, v11  }
0xa3: {  	s4 =	sor.u32 s22, s4;
	s10 =	sor.u32 s22, s16;
	s24 =	sor.u32 s22, s6;
	v25 =	vbroadcast v9, $0x0;
	v9 =	vbroadcast v16, $0x0;
	v11 =	vor.u32 v3, v7  }
0xa4: {  	s21 =	sor.u32 s22, s7;
	s20 =	sor.u32 s22, s8;
	s19 =	sor.u32 s22, s23;
	v16 =	vbroadcast v4, $0x0;
	v10 =	vbroadcast v15, $0x0;
	v15 =	vor.u32 v3, v24  }
0xa5: {  	s31 =	sor.u32 s22, s11;
	s30 =	sor.u32 s22, s12;
	s11 =	sor.u32 s22, s1;
	v4 =	vor.u32 v3, v26;
	v12 =	vbroadcast v21, $0x0;
	v17 =	vor.u32 v3, v25;
	v7 =	vld.idx.msk [tilespmem:v23+s15+$0x0], $0xffff;
	[tilespmem:s4+$0x0] =	vst v22  }
.LBB2_7:
0xa6: {  	s3 =	sadd.s32 $0x10, s3;
	v5 =	vor.u32 v3, v5;
	v10 =	vor.u32 v3, v10;
	v9 =	vor.u32 v3, v9;
	v6 =	vld.idx.msk [tilespmem:v6+s15+$0x0], $0xffff  }
0xa7: {  	v14 =	vor.u32 v3, v14;
	v13 =	vor.u32 v3, v13;
	v18 =	vor.u32 v3, v18;
	s1 =	sand.u32 $0x10, s3;
	p0 =	slt.u32 s3, $0x3F0;
	v8 =	vld.idx.msk [tilespmem:v8+s15+$0x0], $0xffff  }
0xa8: {  	v12 =	vor.u32 v12, v3;
	v16 =	vor.u32 v16, v3;
	v19 =	vmov s1;
	s4 =	sor.u32 $0x9, s1;
	s6 =	sor.u32 $0xA, s1;
	s22 =	sor.u32 $0xF, s1;
	v11 =	vld.idx.msk [tilespmem:v11+s15+$0x0], $0xffff  }
0xa9: {  	s7 =	sor.u32 $0xB, s1;
	s8 =	sor.u32 $0xC, s1;
	s16 =	sor.u32 $0xD, s1;
	v3 =	vmov s4;
	v20 =	vmov s6;
	v21 =	vmov s22;
	v15 =	vld.idx.msk [tilespmem:v15+s15+$0x0], $0xffff  }
0xaa: {  	s5 =	sadd.s32 $0x8, s5;
	s23 =	sor.u32 $0x8, s1;
	s9 =	sor.u32 $0xE, s1;
	v22 =	vmov s7;
	v23 =	vmov s8;
	v21 =	vshrl.u32 v21, $0x3;
	v17 =	vld.idx.msk [tilespmem:v17+s15+$0x0], $0xffff  }
0xab: {  	s26 =	sand.u32 $0x1F0, s5;
	s12 =	sshll.u32 s23, $0x7;
	s25 =	sshll.u32 s4, $0x7;
	v24 =	vmov s16;
	v25 =	vmov s9;
	v21 =	vshll.u32 v21, v2;
	v4 =	vld.idx.msk [tilespmem:v4+s15+$0x0], $0xffff;
	[tilespmem:s24+$0x0] =	vst v7  }
0xac: {  	s4 =	sshll.u32 s6, $0x7;
	s28 =	sshll.u32 s8, $0x7;
	v26 =	vshrl.u32 v3, $0x3;
	v7 =	vmov s26;
	s26 =	sshll.u32 s7, $0x7;
	v3 =	vor.u32 $0x7, v21;
	v5 =	vld.idx.msk [tilespmem:v5+s15+$0x0], $0xffff;
	[tilespmem:s21+$0x0] =	vst v6  }
0xad: {  	s16 =	sshll.u32 s16, $0x7;
	s24 =	sshll.u32 s1, $0x7;
	v6 =	vshll.u32 v7, $0x5;
	v7 =	vshrl.u32 v20, $0x3;
	s21 =	sshll.u32 s9, $0x7;
	v20 =	vbroadcast v3, $0x0;
	v10 =	vld.idx.msk [tilespmem:v10+s15+$0x0], $0xffff;
	[tilespmem:s20+$0x0] =	vst v8  }
0xae: {  	v3 =	vor.u32 v1, v6;
	v6 =	vshrl.u32 v22, $0x3;
	v8 =	vshrl.u32 v23, $0x3;
	v9 =	vld.idx.msk [tilespmem:v9+s15+$0x0], $0xffff;
	[tilespmem:s19+$0x0] =	vst v11  }
0xaf: {  	v21 =	vshrl.u32 v25, $0x3;
	v11 =	vshrl.u32 v24, $0x3;
	v20 =	vor.u32 v3, v20;
	v14 =	vld.idx.msk [tilespmem:v14+s15+$0x0], $0xffff;
	[tilespmem:s31+$0x0] =	vst v15  }
0xb0: {  	v22 =	vshll.u32 v26, v2;
	v15 =	vshrl.u32 v19, $0x3;
	v19 =	vmov s23;
	v13 =	vld.idx.msk [tilespmem:v13+s15+$0x0], $0xffff;
	[tilespmem:s30+$0x0] =	vst v17  }
0xb1: {  	v7 =	vshll.u32 v7, v2;
	v6 =	vshll.u32 v6, v2;
	v8 =	vshll.u32 v8, v2;
	v17 =	vld.idx.msk [tilespmem:v18+s15+$0x0], $0xffff  }
0xb2: {  	v11 =	vshll.u32 v11, v2;
	v23 =	vshll.u32 v15, v2;
	v15 =	vshll.u32 v21, v2;
	v12 =	vld.idx.msk [tilespmem:v12+s15+$0x0], $0xffff  }
0xb3: {  	v7 =	vor.u32 $0x2, v7;
	v18 =	vshrl.u32 v19, $0x3;
	v19 =	vor.u32 $0x1, v22;
	v16 =	vld.idx.msk [tilespmem:v16+s15+$0x0], $0xffff;
	[tilespmem:s11+$0x80] =	vst v4  }
0xb4: {  	v4 =	vor.u32 $0x3, v6;
	v6 =	vor.u32 $0x4, v8;
	v8 =	vor.u32 $0x5, v11;
	v11 =	vld.idx.msk [tilespmem:v20+s15+$0x0], $0xffff;
	[tilespmem:s11+$0x100] =	vst v5  }
0xb5: {  	s29 =	sadd.s32 $0x100, s29;
	v15 =	vor.u32 $0x6, v15;
	v5 =	vor.u32 $0x1, v23;
	v20 =	vor.u32 $0x2, v23;
	[tilespmem:s11+$0x180] =	vst v10  }
0xb6: {  	s1 =	sand.u32 $0x3000, s29;
	v21 =	vor.u32 $0x4, v23;
	v22 =	vor.u32 $0x5, v23;
	v10 =	vor.u32 $0x3, v23;
	[tilespmem:s11+$0x200] =	vst v9  }
0xb7: {  	s6 =	sshll.u32 s22, $0x7;
	s7 =	sand.u32 $0x70, s5;
	s1 =	sadd.s32 $0x11000, s1;
	v24 =	vor.u32 $0x6, v23;
	v25 =	vor.u32 $0x7, v23;
	v26 =	vshll.u32 v18, v2;
	[tilespmem:s11+$0x280] =	vst v14  }
0xb8: {  	s8 =	sor.u32 s12, s1;
	s6 =	sor.u32 s6, s1;
	s9 =	sor.u32 s25, s1;
	v7 =	vbroadcast v7, $0x0;
	v9 =	vbroadcast v19, $0x0;
	[tilespmem:s11+$0x300] =	vst v13  }
0xb9: {  	s4 =	sor.u32 s4, s1;
	s12 =	sor.u32 s26, s1;
	s6 =	sor.u32 s7, s6;
	v4 =	vbroadcast v4, $0x0;
	v18 =	vbroadcast v6, $0x0;
	[tilespmem:s11+$0x380] =	vst v17  }
0xba: {  	s16 =	sor.u32 s16, s1;
	s19 =	sor.u32 s28, s1;
	v27 =	vbroadcast v15, $0x0;
	v19 =	vbroadcast v8, $0x0;
	v17 =	vor.u32 v3, v9;
	[tilespmem:s6+$0x0] =	vst v11;
	s6 =	sor.u32 s24, s1  }
.Ltmp2:
0xbb: {  	v6 =	vor.u32 v3, v7;
	v28 =	vbroadcast v5, $0x0;
	v5 =	vbroadcast v20, $0x0;
	s1 =	sor.u32 s21, s1;
	[tilespmem:s10+$0x0] =	vst v12;
	s10 =	sor.u32 s7, s8;
	(pc) =	sbr.rel @p0 .LBB2_7-.Ltmp2, $4  }
0xbc: {  	s20 =	sor.u32 s7, s12;
	v10 =	vbroadcast v10, $0x0;
	v8 =	vor.u32 v3, v4;
	v9 =	vbroadcast v21, $0x0;
	s24 =	sor.u32 s7, s9;
	s21 =	sor.u32 s7, s4;
	[tilespmem:s11+$0x0] =	vst v16  }
0xbd: {  	s19 =	sor.u32 s7, s19;
	s31 =	sor.u32 s7, s16;
	v14 =	vbroadcast v22, $0x0;
	v13 =	vbroadcast v24, $0x0;
	v11 =	vor.u32 v3, v18;
	s30 =	sor.u32 s7, s1  }
0xbe: {  	v15 =	vor.u32 v3, v19;
	v18 =	vbroadcast v25, $0x0;
	v12 =	vbroadcast v26, $0x0;
	s11 =	sor.u32 s7, s6  }
0xbf: {  	v4 =	vor.u32 v3, v28;
	v16 =	vbroadcast v23, $0x0;
	v7 =	vld.idx.msk [tilespmem:v17+s15+$0x0], $0xffff;
	v17 =	vor.u32 v3, v27  }
0xc0: {  	_ =	sdelay $0x3  }
0xc1: {  	v6 =	vld.idx.msk [tilespmem:v6+s15+$0x0], $0xffff  }
0xc2: {  	v5 =	vor.u32 v3, v5;
	v8 =	vld.idx.msk [tilespmem:v8+s15+$0x0], $0xffff  }
0xc3: {  	v10 =	vor.u32 v3, v10;
	v11 =	vld.idx.msk [tilespmem:v11+s15+$0x0], $0xffff  }
0xc4: {  	v9 =	vor.u32 v3, v9;
	v15 =	vld.idx.msk [tilespmem:v15+s15+$0x0], $0xffff  }
0xc5: {  	v14 =	vor.u32 v3, v14;
	v17 =	vld.idx.msk [tilespmem:v17+s15+$0x0], $0xffff;
	[tilespmem:s24+$0x0] =	vst v7  }
0xc6: {  	v58 =	vor.u32 v3, v13;
	v4 =	vld.idx.msk [tilespmem:v4+s15+$0x0], $0xffff;
	[tilespmem:s21+$0x0] =	vst v6  }
0xc7: {  	v5 =	vld.idx.msk [tilespmem:v5+s15+$0x0], $0xffff;
	[tilespmem:s20+$0x0] =	vst v8  }
0xc8: {  	v59 =	vor.u32 v3, v18;
	v10 =	vld.idx.msk [tilespmem:v10+s15+$0x0], $0xffff;
	[tilespmem:s19+$0x0] =	vst v11  }
0xc9: {  	v60 =	vor.u32 v12, v3;
	v9 =	vld.idx.msk [tilespmem:v9+s15+$0x0], $0xffff;
	[tilespmem:s31+$0x0] =	vst v15  }
0xca: {  	v3 =	vor.u32 v16, v3;
	v61 =	vld.idx.msk [tilespmem:v14+s15+$0x0], $0xffff;
	[tilespmem:s30+$0x0] =	vst v17  }
0xcb: {  	v7 =	vld.idx.msk [tilespmem:v58+s15+$0x0], $0xffff;
	[tilespmem:s11+$0x80] =	vst v4  }
0xcc: {  	[tilespmem:s11+$0x100] =	vst v5  }
0xcd: {  	v62 =	vld.idx.msk [tilespmem:v59+s15+$0x0], $0xffff;
	[tilespmem:s11+$0x180] =	vst v10  }
0xce: {  	v63 =	vld.idx.msk [tilespmem:v60+s15+$0x0], $0xffff;
	[tilespmem:s11+$0x200] =	vst v9  }
0xcf: {  	v3 =	vld.idx.msk [tilespmem:v3+s15+$0x0], $0xffff;
	[tilespmem:s11+$0x280] =	vst v61  }
0xd0: {  	[tilespmem:s11+$0x300] =	vst v7  }
0xd1: {  	s1 =	rddreg [dreg:$0xa]  }
0xd2: {  	[tilespmem:s11+$0x380] =	vst v62;
	s1 =	sshll.u32 s1, $0x13  }
0xd3: {  	[tilespmem:s10+$0x0] =	vst v63;
	s3 =	sor.u32 s13, s1  }
0xd4: {  	[tilespmem:s11+$0x0] =	vst v3;
	s3 =	sshrl.u32 s3, $0x3  }
0xd5: {  	s4 =	simm.s32 $0x11000;
	s25 =	rddreg [dreg:$0x5];
	s3 =	sadd.s32 s2, s3  }
0xd6: {  	[hbm4b:s3+s17] =	stream.strided.scatter [tilespmem:s4], [sflag:$0x4], $0x1000, s18, s17, $0x38;
	[tilespmem:$0x15000] =	vst v63  }
0xd7: {  	s3 =	sor.u32 s25, s1  }
0xd8: {  	s26 =	simm.s32 $0x12000;
	s3 =	sshrl.u32 s3, $0x3  }
0xd9: {  	s0 =	sadd.s32 $0x1, s0;
	s28 =	rddreg [dreg:$0x6];
	s3 =	sadd.s32 s2, s3  }
0xda: {  	[hbm4b:s3+s17] =	stream.strided.scatter [tilespmem:s26], [sflag:$0x4], $0x1000, s18, s17, $0x38;
	[tilespmem:$0x15000] =	vst v63  }
0xdb: {  	p0 =	sne.s32 s0, $0xA;
	s30 =	rddreg [dreg:$0x7];
	s3 =	sor.u32 s28, s1  }
.Ltmp3:
0xdc: {  	s1 =	sor.u32 s30, s1;
	s3 =	sshrl.u32 s3, $0x3;
	(pc) =	sbr.rel @p0 .LBB2_4-.Ltmp3, $4  }
0xdd: {  	s29 =	simm.s32 $0x13000;
	s1 =	sshrl.u32 s1, $0x3;
	s3 =	sadd.s32 s2, s3  }
0xde: {  	[hbm4b:s3+s17] =	stream.strided.scatter [tilespmem:s29], [sflag:$0x4], $0x1000, s18, s17, $0x38;
	[tilespmem:$0x15000] =	vst v63  }
0xdf: {  	s9 =	smov.u32 s13;
	s31 =	simm.s32 $0x14000;
	s1 =	sadd.s32 s2, s1  }
0xe0: {  	[hbm4b:s1+s17] =	stream.strided.scatter [tilespmem:s31], [sflag:$0x4], $0x1000, s18, s17, $0x38;
	[tilespmem:$0x15000] =	vst v63  }
0xe1: {  	s0 =	simm.s32 $0x3  }
0xe2: {  	_ =	swait.ge [sflag:s0], $0x1000  }
0xe3: {  	[sflag:s0] =	ssyncset.done $0x0  }
0xe4: {  	[sflag:s0] =	ssyncadd.s32 $0xFFFFF000  }
0xe5: {  	_ =	swait.ge [sflag:s0], $0x1000  }
0xe6: {  	[sflag:s0] =	ssyncset.done $0x0  }
0xe7: {  	[sflag:s0] =	ssyncadd.s32 $0xFFFFF000  }
0xe8: {  	_ =	swait.ge [sflag:s0], $0x1000  }
0xe9: {  	[sflag:s0] =	ssyncset.done $0x0  }
0xea: {  	[sflag:s0] =	ssyncadd.s32 $0xFFFFF000  }
0xeb: {  	_ =	swait.ge [sflag:s0], $0x1000  }
0xec: {  	[sflag:s0] =	ssyncset.done $0x0  }
0xed: {  	s1 =	simm.s32 $0x4;
	[sflag:s0] =	ssyncadd.s32 $0xFFFFF000  }
0xee: {  	_ =	swait.ge [sflag:s1], $0x1000  }
0xef: {  	[sflag:s1] =	ssyncset.done $0x0  }
0xf0: {  	[sflag:s1] =	ssyncadd.s32 $0xFFFFF000  }
0xf1: {  	_ =	swait.ge [sflag:s1], $0x1000  }
0xf2: {  	[sflag:s1] =	ssyncset.done $0x0  }
0xf3: {  	[sflag:s1] =	ssyncadd.s32 $0xFFFFF000  }
0xf4: {  	_ =	swait.ge [sflag:s1], $0x1000  }
0xf5: {  	[sflag:s1] =	ssyncset.done $0x0  }
0xf6: {  	[sflag:s1] =	ssyncadd.s32 $0xFFFFF000  }
0xf7: {  	_ =	swait.ge [sflag:s1], $0x1000  }
0xf8: {  	s3 =	rddreg [dreg:$0x9]  }
0xf9: {  	s31 =	rddreg [dreg:$0x8];
	s3 =	sadd.s32 $0x1, s3  }
0xfa: {  	p0 =	sne.s32 s3, s31  }
.Ltmp4:
0xfb: {  	_ = 	snop;
	(pc) =	sbr.rel @p0 .LBB2_1-.Ltmp4, $3  }
0xfc: {  	_ =	sdelay $0x1  }
0xfd: {  	[sflag:s1] =	ssyncset.done $0x0  }
0xfe: {  	[sflag:s1] =	ssyncadd.s32 $0xFFFFF000  }
0xff: {  	_ =	sfence.sel $0x180000  }
0x100: {  	[bflag:$0x0] =	sbarrier.arrive $0xFFFF  }
0x101: {  	_ =	strace $0x90000047  }
0x102: {  	s0 =	stileid.u32;
	[bflag:$0x2] =	sbarrier.arrive $0xFFFF  }
0x103: {  	p0 =	sne.s32 s0, $0x0;
	s0 =	rddreg [dreg:$0x2]  }
0x104: {  	s0 =	sadd.s32 @!p0 $0x100000, s0  }
0x105: {  	[sflag:s0] =	ssyncadd.tile.s32 @!p0 $0x1;
	_ =	shalt  }
.Lfunc_end2:
_tile_overlayer_lowered:
.L_overlay_start_2:
0x106: {  	(tag) =	ssettag $0x2  }
0x107: {  	s0 =	rddreg [dreg:$0x0];
	s2 =	stileid.u32  }
0x108: {  	s1 =	rddreg [dreg:$0x1];
	p0 =	sne.s32 s2, $0x0  }
0x109: {  	s3 =	rddreg [dreg:$0x2];
	[bflag:$0x3] =	sbarrier.arrive $0xFFFF;
	s2 =	simm.s32 @!p0 $0x1C05  }
0x10a: {  	[timem:s3], [sflag:s2] =	dma.local @!p0 [hbm:s0], s1  }
0x10b: {  	s0 =	simm.s32 @!p0 $0x5  }
0x10c: {  	_ =	swait.ge @!p0 [sflag:s0], s1  }
0x10d: {  	s1 =	ssub.s32 @!p0 $0x0, s1;
	[sflag:s0] =	ssyncset.done @!p0 $0x0  }
0x10e: {  	[sflag:s0] =	ssyncadd.s32 @!p0 s1  }
0x10f: {  	[bflag:$0x3] =	sbarrier.arrive $0xFFFF  }
0x110: {  	_ =	shalt  }

</sc_bundles>
